<compile_context>
chip_gen: v7x
topology: tpu7x:2x2x1
jax: 0.10.2.dev20260603
libtpu: 0.0.44.dev20260713+nightly
codegen_flags: <defaults>
</compile_context>

<pallas_src>
import functools

import jax
import jax.numpy as jnp
from jax import lax
from jax.experimental import pallas as pl
from jax.experimental.pallas import tpu as pltpu
from jax.experimental.pallas import tpu_sc as plsc

NC = 2
NS = 16
NW = NC * NS
BCH = 4096
LANES = 16


@functools.lru_cache(maxsize=None)
def _build_lookup(f: int, v: int, d: int, b: int):
  assert d == NW, "one subcore per embedding dim"
  rows = f * d
  nbch = b // BCH

  mesh = plsc.VectorSubcoreMesh(core_axis_name="c", subcore_axis_name="s")

  @functools.partial(
      pl.kernel,
      mesh=mesh,
      out_type=jax.ShapeDtypeStruct((rows, b), jnp.float32),
      scratch_types=[
          pltpu.VMEM((v,), jnp.float32),
          pltpu.VMEM((2, BCH), jnp.int32),
          pltpu.VMEM((2, BCH), jnp.float32),
          pltpu.SemaphoreType.DMA,
          pltpu.SemaphoreType.DMA,
          pltpu.SemaphoreType.DMA,
          pltpu.SemaphoreType.DMA,
          pltpu.SemaphoreType.DMA,
      ],
      compiler_params=pltpu.CompilerParams(use_tc_tiling_on_sc=True,
                                           needs_layout_passes=False),
  )
  def lookup_kernel(cat_hbm, tab_hbm, out_hbm, row_v, idx_v, outc_v,
                    rsem, i0, i1, o0, o1):
    isems = (i0, i1)
    osems = (o0, o1)
    wid = lax.axis_index("s") * NC + lax.axis_index("c")

    def start_idx(j, c, ib):
      pltpu.async_copy(cat_hbm.at[j, pl.ds(c * BCH, BCH)],
                       idx_v.at[ib], isems[ib])

    start_idx(0, 0, 0)

    def jbody(j, _):
      r = j * NW + wid
      pltpu.async_copy(tab_hbm.at[r], row_v, rsem)
      pltpu.make_async_copy(tab_hbm.at[0], row_v, rsem).wait()
      for c in range(nbch):
        bb = c % 2
        pltpu.make_async_copy(cat_hbm.at[0, pl.ds(0, BCH)],
                              idx_v.at[bb], isems[bb]).wait()
        if c + 1 < nbch:
          start_idx(j, c + 1, (c + 1) % 2)
        else:
          @pl.when(j + 1 < f)
          def _():
            start_idx(j + 1, 0, 0)
        @pl.when(j * nbch + c >= 2)
        def _():
          pltpu.make_async_copy(outc_v.at[bb],
                                out_hbm.at[0, pl.ds(0, BCH)],
                                osems[bb]).wait()

        @plsc.parallel_loop(0, BCH // LANES, 1, unroll=16)
        def _(k):
          s = pl.ds(k * LANES, LANES)
          iv = idx_v[bb, s]
          outc_v[bb, s] = plsc.load_gather(row_v, [iv])

        pltpu.async_copy(outc_v.at[bb],
                         out_hbm.at[r, pl.ds(c * BCH, BCH)], osems[bb])
      return ()

    lax.fori_loop(0, f, jbody, (), unroll=False)

    for bb in range(2):
      pltpu.make_async_copy(outc_v.at[bb], out_hbm.at[0, pl.ds(0, BCH)],
                            osems[bb]).wait()

  return lookup_kernel


def kernel(cat_features, tables):
  b, f = cat_features.shape
  _, v, d = tables.shape
  tabT = jnp.transpose(tables, (0, 2, 1)).reshape(f * d, v)
  catT = cat_features.T
  outT = _build_lookup(f, v, d, b)(catT, tabT)
  return outT.T

# --- scband reference (transcript-rebuilt; emitter-appended) ---
"""Pipeline reference for scband-sparse-model-63350767616348 (READ-ONLY COPY).

The authoritative reference and input builder live on the scoring server;
editing this copy changes nothing except your own understanding.
"""

import jax, jax.numpy as jnp
import numpy as np

B = 16384
F = 26
V = 100000
D = 32

def setup_inputs(seed: int = 0) -> dict:
    key = jax.random.key(seed)
    k1, k2 = jax.random.split(key)
    cat_features = jax.random.randint(k1, (B, F), 0, V, dtype=jnp.int32)
    # 26 embedding tables, all [V, D]; stacked into one [F, V, D] parameter
    # (equivalent to the per-table tf.keras.layers.Embedding weights)
    tables = jax.random.normal(k2, (F, V, D), dtype=jnp.float32) * 0.05
    return {"cat_features": cat_features, "tables": tables}

def reference(cat_features, tables):
    # SparseModel._call_embeddings: per-feature embedding lookup, then concat on axis=1
    # emb[b, f, :] = tables[f, cat_features[b, f], :]
    f_idx = jnp.arange(tables.shape[0], dtype=cat_features.dtype)[None, :]  # [1, F]
    emb = tables[f_idx, cat_features]  # [B, F, D] via gather
    out = emb.reshape(cat_features.shape[0], -1)  # concat(axis=1) -> [B, F*D]
    return out.astype(jnp.float32)

if __name__ == "__main__":
    import jax
    _d = setup_inputs()
    print(jax.jit(kernel)(*tuple(_d.values())))

</pallas_src>

<mosaic_0001>
#map = affine_map<(d0, d1) -> (0, 0)>
module attributes {stable_mosaic.version = 14 : i64} {
  func.func @lookup_kernel(%arg0: i32, %arg1: i32, %arg2: memref<26x16384xi32, #tpu.memory_space<hbm>>, %arg3: memref<832x100000xf32, #tpu.memory_space<hbm>>, %arg4: memref<832x16384xf32, #tpu.memory_space<hbm>>, %arg5: memref<100000xf32, #tpu.memory_space<vmem>>, %arg6: memref<2x4096xi32, #tpu.memory_space<vmem>>, %arg7: memref<2x4096xf32, #tpu.memory_space<vmem>>, %arg8: memref<!tpu.dma_semaphore, #tpu.memory_space<semaphore_mem>>, %arg9: memref<!tpu.dma_semaphore, #tpu.memory_space<semaphore_mem>>, %arg10: memref<!tpu.dma_semaphore, #tpu.memory_space<semaphore_mem>>, %arg11: memref<!tpu.dma_semaphore, #tpu.memory_space<semaphore_mem>>, %arg12: memref<!tpu.dma_semaphore, #tpu.memory_space<semaphore_mem>>) attributes {dimension_semantics = [#tpu.dimension_semantics<core_parallel>, #tpu.dimension_semantics<subcore_parallel>], iteration_bounds = array<i64: 2, 16>, scalar_prefetch = 0 : i64, scratch_operands = 8 : i64, tpu.core_type = #tpu.core_type<sc_vector_subcore>, window_params = [{transform_indices = #map}, {transform_indices = #map}, {transform_indices = #map}]} {
    %mul3A = arith.constant 2 : i32
    %mul3A_0 = arith.muli %arg1, %mul3A : i32
    %add3A = arith.addi %mul3A_0, %arg0 : i32
    %dma_start3A = arith.constant 0 : i32
    %dma_start3A_1 = arith.constant 0 : i32
    %dma_start3A_2 = arith.constant 0 : i32
    %dma_start3A_3 = tpu.memref_slice %arg6[%dma_start3A_1, %dma_start3A_2] : memref<2x4096xi32, #tpu.memory_space<vmem>> -> memref<1x4096xi32, #tpu.memory_space<vmem>>
    %dma_start3A_4 = tpu.memref_squeeze %dma_start3A_3 : memref<1x4096xi32, #tpu.memory_space<vmem>> -> memref<4096xi32, #tpu.memory_space<vmem>>
    %dma_start3A_5 = arith.constant 0 : i32
    %dma_start3A_6 = tpu.memref_slice %arg2[%dma_start3A, %dma_start3A_5] : memref<26x16384xi32, #tpu.memory_space<hbm>> -> memref<1x4096xi32, #tpu.memory_space<hbm>>
    %dma_start3A_7 = tpu.memref_squeeze %dma_start3A_6 : memref<1x4096xi32, #tpu.memory_space<hbm>> -> memref<4096xi32, #tpu.memory_space<hbm>>
    %dma_start3A_8 = arith.constant 0 : i32
    %dma_start3A_9 = tpu.memref_slice %arg6[%dma_start3A_1, %dma_start3A_8] : memref<2x4096xi32, #tpu.memory_space<vmem>> -> memref<1x4096xi32, #tpu.memory_space<vmem>>
    %dma_start3A_10 = tpu.memref_squeeze %dma_start3A_9 : memref<1x4096xi32, #tpu.memory_space<vmem>> -> memref<4096xi32, #tpu.memory_space<vmem>>
    %dma_start3A_11 = arith.constant 0 : i32
    %dma_start3A_12 = tpu.memref_slice %arg2[%dma_start3A, %dma_start3A_11] : memref<26x16384xi32, #tpu.memory_space<hbm>> -> memref<1x4096xi32, #tpu.memory_space<hbm>>
    %dma_start3A_13 = tpu.memref_squeeze %dma_start3A_12 : memref<1x4096xi32, #tpu.memory_space<hbm>> -> memref<4096xi32, #tpu.memory_space<hbm>>
    tpu.enqueue_dma source(%dma_start3A_13 : memref<4096xi32, #tpu.memory_space<hbm>>) target(%dma_start3A_10 : memref<4096xi32, #tpu.memory_space<vmem>>) target_semaphore(%arg9 : memref<!tpu.dma_semaphore, #tpu.memory_space<semaphore_mem>>)
    %scan3A = arith.constant 0 : i32
    %scan3A_14 = arith.constant 26 : i32
    %scan3A_15 = arith.addi %scan3A, %scan3A_14 : i32
    %scan3A_16 = arith.constant 1 : i32
    scf.for %scan3A_45 = %scan3A to %scan3A_15 step %scan3A_16  : i32 {
      %mul3A_46 = arith.constant 32 : i32
      %mul3A_47 = arith.muli %scan3A_45, %mul3A_46 : i32
      %add3A_48 = arith.addi %mul3A_47, %add3A : i32
      %dma_start3A_49 = arith.constant 0 : i32
      %dma_start3A_50 = tpu.memref_slice %arg3[%add3A_48, %dma_start3A_49] : memref<832x100000xf32, #tpu.memory_space<hbm>> -> memref<1x100000xf32, #tpu.memory_space<hbm>>
      %dma_start3A_51 = tpu.memref_squeeze %dma_start3A_50 : memref<1x100000xf32, #tpu.memory_space<hbm>> -> memref<100000xf32, #tpu.memory_space<hbm>>
      %dma_start3A_52 = arith.constant 0 : i32
      %dma_start3A_53 = tpu.memref_slice %arg3[%add3A_48, %dma_start3A_52] : memref<832x100000xf32, #tpu.memory_space<hbm>> -> memref<1x100000xf32, #tpu.memory_space<hbm>>
      %dma_start3A_54 = tpu.memref_squeeze %dma_start3A_53 : memref<1x100000xf32, #tpu.memory_space<hbm>> -> memref<100000xf32, #tpu.memory_space<hbm>>
      tpu.enqueue_dma source(%dma_start3A_54 : memref<100000xf32, #tpu.memory_space<hbm>>) target(%arg5 : memref<100000xf32, #tpu.memory_space<vmem>>) target_semaphore(%arg8 : memref<!tpu.dma_semaphore, #tpu.memory_space<semaphore_mem>>)
      %dma_wait3A_55 = arith.constant 0 : i32
      %dma_wait3A_56 = arith.constant 0 : i32
      %dma_wait3A_57 = tpu.memref_slice %arg3[%dma_wait3A_55, %dma_wait3A_56] : memref<832x100000xf32, #tpu.memory_space<hbm>> -> memref<1x100000xf32, #tpu.memory_space<hbm>>
      %dma_wait3A_58 = tpu.memref_squeeze %dma_wait3A_57 : memref<1x100000xf32, #tpu.memory_space<hbm>> -> memref<100000xf32, #tpu.memory_space<hbm>>
      %dma_wait3A_59 = arith.constant 0 : i32
      %dma_wait3A_60 = tpu.memref_slice %arg3[%dma_wait3A_55, %dma_wait3A_59] : memref<832x100000xf32, #tpu.memory_space<hbm>> -> memref<1x100000xf32, #tpu.memory_space<hbm>>
      %dma_wait3A_61 = tpu.memref_squeeze %dma_wait3A_60 : memref<1x100000xf32, #tpu.memory_space<hbm>> -> memref<100000xf32, #tpu.memory_space<hbm>>
      tpu.wait_dma2 semaphore(%arg8 : memref<!tpu.dma_semaphore, #tpu.memory_space<semaphore_mem>>) src(%dma_wait3A_61 : memref<100000xf32, #tpu.memory_space<hbm>>) dst(%arg5 : memref<100000xf32, #tpu.memory_space<vmem>>)
      %dma_wait3A_62 = arith.constant 0 : i32
      %dma_wait3A_63 = arith.constant 0 : i32
      %dma_wait3A_64 = arith.constant 0 : i32
      %dma_wait3A_65 = tpu.memref_slice %arg6[%dma_wait3A_63, %dma_wait3A_64] : memref<2x4096xi32, #tpu.memory_space<vmem>> -> memref<1x4096xi32, #tpu.memory_space<vmem>>
      %dma_wait3A_66 = tpu.memref_squeeze %dma_wait3A_65 : memref<1x4096xi32, #tpu.memory_space<vmem>> -> memref<4096xi32, #tpu.memory_space<vmem>>
      %dma_wait3A_67 = arith.constant 0 : i32
      %dma_wait3A_68 = tpu.memref_slice %arg2[%dma_wait3A_62, %dma_wait3A_67] : memref<26x16384xi32, #tpu.memory_space<hbm>> -> memref<1x4096xi32, #tpu.memory_space<hbm>>
      %dma_wait3A_69 = tpu.memref_squeeze %dma_wait3A_68 : memref<1x4096xi32, #tpu.memory_space<hbm>> -> memref<4096xi32, #tpu.memory_space<hbm>>
      %dma_wait3A_70 = arith.constant 0 : i32
      %dma_wait3A_71 = tpu.memref_slice %arg6[%dma_wait3A_63, %dma_wait3A_70] : memref<2x4096xi32, #tpu.memory_space<vmem>> -> memref<1x4096xi32, #tpu.memory_space<vmem>>
      %dma_wait3A_72 = tpu.memref_squeeze %dma_wait3A_71 : memref<1x4096xi32, #tpu.memory_space<vmem>> -> memref<4096xi32, #tpu.memory_space<vmem>>
      %dma_wait3A_73 = arith.constant 0 : i32
      %dma_wait3A_74 = tpu.memref_slice %arg2[%dma_wait3A_62, %dma_wait3A_73] : memref<26x16384xi32, #tpu.memory_space<hbm>> -> memref<1x4096xi32, #tpu.memory_space<hbm>>
      %dma_wait3A_75 = tpu.memref_squeeze %dma_wait3A_74 : memref<1x4096xi32, #tpu.memory_space<hbm>> -> memref<4096xi32, #tpu.memory_space<hbm>>
      tpu.wait_dma2 semaphore(%arg9 : memref<!tpu.dma_semaphore, #tpu.memory_space<semaphore_mem>>) src(%dma_wait3A_75 : memref<4096xi32, #tpu.memory_space<hbm>>) dst(%dma_wait3A_72 : memref<4096xi32, #tpu.memory_space<vmem>>)
      %dma_start3A_76 = arith.constant 1 : i32
      %dma_start3A_77 = arith.constant 0 : i32
      %dma_start3A_78 = tpu.memref_slice %arg6[%dma_start3A_76, %dma_start3A_77] : memref<2x4096xi32, #tpu.memory_space<vmem>> -> memref<1x4096xi32, #tpu.memory_space<vmem>>
      %dma_start3A_79 = tpu.memref_squeeze %dma_start3A_78 : memref<1x4096xi32, #tpu.memory_space<vmem>> -> memref<4096xi32, #tpu.memory_space<vmem>>
      %dma_start3A_80 = arith.constant 4096 : i32
      %dma_start3A_81 = tpu.memref_slice %arg2[%scan3A_45, %dma_start3A_80] : memref<26x16384xi32, #tpu.memory_space<hbm>> -> memref<1x4096xi32, #tpu.memory_space<hbm>>
      %dma_start3A_82 = tpu.memref_squeeze %dma_start3A_81 : memref<1x4096xi32, #tpu.memory_space<hbm>> -> memref<4096xi32, #tpu.memory_space<hbm>>
      %dma_start3A_83 = arith.constant 0 : i32
      %dma_start3A_84 = tpu.memref_slice %arg6[%dma_start3A_76, %dma_start3A_83] : memref<2x4096xi32, #tpu.memory_space<vmem>> -> memref<1x4096xi32, #tpu.memory_space<vmem>>
      %dma_start3A_85 = tpu.memref_squeeze %dma_start3A_84 : memref<1x4096xi32, #tpu.memory_space<vmem>> -> memref<4096xi32, #tpu.memory_space<vmem>>
      %dma_start3A_86 = arith.constant 4096 : i32
      %dma_start3A_87 = tpu.memref_slice %arg2[%scan3A_45, %dma_start3A_86] : memref<26x16384xi32, #tpu.memory_space<hbm>> -> memref<1x4096xi32, #tpu.memory_space<hbm>>
      %dma_start3A_88 = tpu.memref_squeeze %dma_start3A_87 : memref<1x4096xi32, #tpu.memory_space<hbm>> -> memref<4096xi32, #tpu.memory_space<hbm>>
      tpu.enqueue_dma source(%dma_start3A_88 : memref<4096xi32, #tpu.memory_space<hbm>>) target(%dma_start3A_85 : memref<4096xi32, #tpu.memory_space<vmem>>) target_semaphore(%arg10 : memref<!tpu.dma_semaphore, #tpu.memory_space<semaphore_mem>>)
      %mul3A_89 = arith.constant 4 : i32
      %mul3A_90 = arith.muli %scan3A_45, %mul3A_89 : i32
      %add3A_91 = arith.constant 0 : i32
      %add3A_92 = arith.addi %mul3A_90, %add3A_91 : i32
      %ge3A = arith.constant 2 : i32
      %ge3A_93 = arith.cmpi sge, %add3A_92, %ge3A : i32
      %convert_element_type3A = arith.extui %ge3A_93 : i1 to i32
      %cond3A = arith.constant 0 : i32
      %cond3A_94 = arith.cmpi ne, %convert_element_type3A, %cond3A : i32
      scf.if %cond3A_94 {
        %dma_wait3A_259 = arith.constant 0 : i32
        %dma_wait3A_260 = arith.constant 0 : i32
        %dma_wait3A_261 = arith.constant 0 : i32
        %dma_wait3A_262 = tpu.memref_slice %arg7[%dma_wait3A_259, %dma_wait3A_261] : memref<2x4096xf32, #tpu.memory_space<vmem>> -> memref<1x4096xf32, #tpu.memory_space<vmem>>
        %dma_wait3A_263 = tpu.memref_squeeze %dma_wait3A_262 : memref<1x4096xf32, #tpu.memory_space<vmem>> -> memref<4096xf32, #tpu.memory_space<vmem>>
        %dma_wait3A_264 = arith.constant 0 : i32
        %dma_wait3A_265 = tpu.memref_slice %arg4[%dma_wait3A_260, %dma_wait3A_264] : memref<832x16384xf32, #tpu.memory_space<hbm>> -> memref<1x4096xf32, #tpu.memory_space<hbm>>
        %dma_wait3A_266 = tpu.memref_squeeze %dma_wait3A_265 : memref<1x4096xf32, #tpu.memory_space<hbm>> -> memref<4096xf32, #tpu.memory_space<hbm>>
        %dma_wait3A_267 = arith.constant 0 : i32
        %dma_wait3A_268 = tpu.memref_slice %arg4[%dma_wait3A_260, %dma_wait3A_267] : memref<832x16384xf32, #tpu.memory_space<hbm>> -> memref<1x4096xf32, #tpu.memory_space<hbm>>
        %dma_wait3A_269 = tpu.memref_squeeze %dma_wait3A_268 : memref<1x4096xf32, #tpu.memory_space<hbm>> -> memref<4096xf32, #tpu.memory_space<hbm>>
        %dma_wait3A_270 = arith.constant 0 : i32
        %dma_wait3A_271 = tpu.memref_slice %arg7[%dma_wait3A_259, %dma_wait3A_270] : memref<2x4096xf32, #tpu.memory_space<vmem>> -> memref<1x4096xf32, #tpu.memory_space<vmem>>
        %dma_wait3A_272 = tpu.memref_squeeze %dma_wait3A_271 : memref<1x4096xf32, #tpu.memory_space<vmem>> -> memref<4096xf32, #tpu.memory_space<vmem>>
        tpu.wait_dma2 semaphore(%arg11 : memref<!tpu.dma_semaphore, #tpu.memory_space<semaphore_mem>>) src(%dma_wait3A_272 : memref<4096xf32, #tpu.memory_space<vmem>>) dst(%dma_wait3A_269 : memref<4096xf32, #tpu.memory_space<hbm>>)
      } else {
      }
      %parallel_loop3A = arith.constant 0 : i32
      %parallel_loop3A_95 = arith.constant 256 : i32
      %parallel_loop3A_96 = arith.constant 1 : i32
      scf.for %parallel_loop3A_259 = %parallel_loop3A to %parallel_loop3A_95 step %parallel_loop3A_96  : i32 {
        %parallel_loop3A_260 = arith.constant 16 : i32
        %parallel_loop3A_261 = arith.muli %parallel_loop3A_259, %parallel_loop3A_260 : i32
        %parallel_loop3A_262 = arith.constant 0 : i32
        %parallel_loop3A_263 = arith.index_cast %parallel_loop3A_262 : i32 to index
        %parallel_loop3A_264 = arith.index_cast %parallel_loop3A_261 : i32 to index
        %parallel_loop3A_265 = tpu.vector_load %arg6[%parallel_loop3A_263, %parallel_loop3A_264] {strides = array<i32>} : memref<2x4096xi32, #tpu.memory_space<vmem>>, vector<16xi32>,
        %parallel_loop3A_266 = tpu.vector_load_idx %arg5[%parallel_loop3A_265] : memref<100000xf32, #tpu.memory_space<vmem>>[vector<16xi32>], vector<16xf32>,
        %parallel_loop3A_267 = arith.constant 0 : i32
        %parallel_loop3A_268 = arith.index_cast %parallel_loop3A_267 : i32 to index
        %parallel_loop3A_269 = arith.index_cast %parallel_loop3A_261 : i32 to index
        %parallel_loop3A_270 = tpu.vector_load %arg7[%parallel_loop3A_268, %parallel_loop3A_269] {strides = array<i32>} : memref<2x4096xf32, #tpu.memory_space<vmem>>, vector<16xf32>,
        tpu.vector_store %arg7[%parallel_loop3A_268, %parallel_loop3A_269], %parallel_loop3A_266 {strides = array<i32>} : memref<2x4096xf32, #tpu.memory_space<vmem>>, vector<16xf32>,
      } {sc.loop_unroll_factor = 16 : i64, sc.parallel_access}
      %dma_start3A_97 = arith.constant 0 : i32
      %dma_start3A_98 = arith.constant 0 : i32
      %dma_start3A_99 = tpu.memref_slice %arg7[%dma_start3A_97, %dma_start3A_98] : memref<2x4096xf32, #tpu.memory_space<vmem>> -> memref<1x4096xf32, #tpu.memory_space<vmem>>
      %dma_start3A_100 = tpu.memref_squeeze %dma_start3A_99 : memref<1x4096xf32, #tpu.memory_space<vmem>> -> memref<4096xf32, #tpu.memory_space<vmem>>
      %dma_start3A_101 = arith.constant 0 : i32
      %dma_start3A_102 = tpu.memref_slice %arg4[%add3A_48, %dma_start3A_101] : memref<832x16384xf32, #tpu.memory_space<hbm>> -> memref<1x4096xf32, #tpu.memory_space<hbm>>
      %dma_start3A_103 = tpu.memref_squeeze %dma_start3A_102 : memref<1x4096xf32, #tpu.memory_space<hbm>> -> memref<4096xf32, #tpu.memory_space<hbm>>
      %dma_start3A_104 = arith.constant 0 : i32
      %dma_start3A_105 = tpu.memref_slice %arg4[%add3A_48, %dma_start3A_104] : memref<832x16384xf32, #tpu.memory_space<hbm>> -> memref<1x4096xf32, #tpu.memory_space<hbm>>
      %dma_start3A_106 = tpu.memref_squeeze %dma_start3A_105 : memref<1x4096xf32, #tpu.memory_space<hbm>> -> memref<4096xf32, #tpu.memory_space<hbm>>
      %dma_start3A_107 = arith.constant 0 : i32
      %dma_start3A_108 = tpu.memref_slice %arg7[%dma_start3A_97, %dma_start3A_107] : memref<2x4096xf32, #tpu.memory_space<vmem>> -> memref<1x4096xf32, #tpu.memory_space<vmem>>
      %dma_start3A_109 = tpu.memref_squeeze %dma_start3A_108 : memref<1x4096xf32, #tpu.memory_space<vmem>> -> memref<4096xf32, #tpu.memory_space<vmem>>
      tpu.enqueue_dma source(%dma_start3A_109 : memref<4096xf32, #tpu.memory_space<vmem>>) target(%dma_start3A_106 : memref<4096xf32, #tpu.memory_space<hbm>>) target_semaphore(%arg11 : memref<!tpu.dma_semaphore, #tpu.memory_space<semaphore_mem>>)
      %dma_wait3A_110 = arith.constant 0 : i32
      %dma_wait3A_111 = arith.constant 1 : i32
      %dma_wait3A_112 = arith.constant 0 : i32
      %dma_wait3A_113 = tpu.memref_slice %arg6[%dma_wait3A_111, %dma_wait3A_112] : memref<2x4096xi32, #tpu.memory_space<vmem>> -> memref<1x4096xi32, #tpu.memory_space<vmem>>
      %dma_wait3A_114 = tpu.memref_squeeze %dma_wait3A_113 : memref<1x4096xi32, #tpu.memory_space<vmem>> -> memref<4096xi32, #tpu.memory_space<vmem>>
      %dma_wait3A_115 = arith.constant 0 : i32
      %dma_wait3A_116 = tpu.memref_slice %arg2[%dma_wait3A_110, %dma_wait3A_115] : memref<26x16384xi32, #tpu.memory_space<hbm>> -> memref<1x4096xi32, #tpu.memory_space<hbm>>
      %dma_wait3A_117 = tpu.memref_squeeze %dma_wait3A_116 : memref<1x4096xi32, #tpu.memory_space<hbm>> -> memref<4096xi32, #tpu.memory_space<hbm>>
      %dma_wait3A_118 = arith.constant 0 : i32
      %dma_wait3A_119 = tpu.memref_slice %arg6[%dma_wait3A_111, %dma_wait3A_118] : memref<2x4096xi32, #tpu.memory_space<vmem>> -> memref<1x4096xi32, #tpu.memory_space<vmem>>
      %dma_wait3A_120 = tpu.memref_squeeze %dma_wait3A_119 : memref<1x4096xi32, #tpu.memory_space<vmem>> -> memref<4096xi32, #tpu.memory_space<vmem>>
      %dma_wait3A_121 = arith.constant 0 : i32
      %dma_wait3A_122 = tpu.memref_slice %arg2[%dma_wait3A_110, %dma_wait3A_121] : memref<26x16384xi32, #tpu.memory_space<hbm>> -> memref<1x4096xi32, #tpu.memory_space<hbm>>
      %dma_wait3A_123 = tpu.memref_squeeze %dma_wait3A_122 : memref<1x4096xi32, #tpu.memory_space<hbm>> -> memref<4096xi32, #tpu.memory_space<hbm>>
      tpu.wait_dma2 semaphore(%arg10 : memref<!tpu.dma_semaphore, #tpu.memory_space<semaphore_mem>>) src(%dma_wait3A_123 : memref<4096xi32, #tpu.memory_space<hbm>>) dst(%dma_wait3A_120 : memref<4096xi32, #tpu.memory_space<vmem>>)
      %dma_start3A_124 = arith.constant 0 : i32
      %dma_start3A_125 = arith.constant 0 : i32
      %dma_start3A_126 = tpu.memref_slice %arg6[%dma_start3A_124, %dma_start3A_125] : memref<2x4096xi32, #tpu.memory_space<vmem>> -> memref<1x4096xi32, #tpu.memory_space<vmem>>
      %dma_start3A_127 = tpu.memref_squeeze %dma_start3A_126 : memref<1x4096xi32, #tpu.memory_space<vmem>> -> memref<4096xi32, #tpu.memory_space<vmem>>
      %dma_start3A_128 = arith.constant 8192 : i32
      %dma_start3A_129 = tpu.memref_slice %arg2[%scan3A_45, %dma_start3A_128] : memref<26x16384xi32, #tpu.memory_space<hbm>> -> memref<1x4096xi32, #tpu.memory_space<hbm>>
      %dma_start3A_130 = tpu.memref_squeeze %dma_start3A_129 : memref<1x4096xi32, #tpu.memory_space<hbm>> -> memref<4096xi32, #tpu.memory_space<hbm>>
      %dma_start3A_131 = arith.constant 0 : i32
      %dma_start3A_132 = tpu.memref_slice %arg6[%dma_start3A_124, %dma_start3A_131] : memref<2x4096xi32, #tpu.memory_space<vmem>> -> memref<1x4096xi32, #tpu.memory_space<vmem>>
      %dma_start3A_133 = tpu.memref_squeeze %dma_start3A_132 : memref<1x4096xi32, #tpu.memory_space<vmem>> -> memref<4096xi32, #tpu.memory_space<vmem>>
      %dma_start3A_134 = arith.constant 8192 : i32
      %dma_start3A_135 = tpu.memref_slice %arg2[%scan3A_45, %dma_start3A_134] : memref<26x16384xi32, #tpu.memory_space<hbm>> -> memref<1x4096xi32, #tpu.memory_space<hbm>>
      %dma_start3A_136 = tpu.memref_squeeze %dma_start3A_135 : memref<1x4096xi32, #tpu.memory_space<hbm>> -> memref<4096xi32, #tpu.memory_space<hbm>>
      tpu.enqueue_dma source(%dma_start3A_136 : memref<4096xi32, #tpu.memory_space<hbm>>) target(%dma_start3A_133 : memref<4096xi32, #tpu.memory_space<vmem>>) target_semaphore(%arg9 : memref<!tpu.dma_semaphore, #tpu.memory_space<semaphore_mem>>)
      %mul3A_137 = arith.constant 4 : i32
      %mul3A_138 = arith.muli %scan3A_45, %mul3A_137 : i32
      %add3A_139 = arith.constant 1 : i32
      %add3A_140 = arith.addi %mul3A_138, %add3A_139 : i32
      %ge3A_141 = arith.constant 2 : i32
      %ge3A_142 = arith.cmpi sge, %add3A_140, %ge3A_141 : i32
      %convert_element_type3A_143 = arith.extui %ge3A_142 : i1 to i32
      %cond3A_144 = arith.constant 0 : i32
      %cond3A_145 = arith.cmpi ne, %convert_element_type3A_143, %cond3A_144 : i32
      scf.if %cond3A_145 {
        %dma_wait3A_259 = arith.constant 1 : i32
        %dma_wait3A_260 = arith.constant 0 : i32
        %dma_wait3A_261 = arith.constant 0 : i32
        %dma_wait3A_262 = tpu.memref_slice %arg7[%dma_wait3A_259, %dma_wait3A_261] : memref<2x4096xf32, #tpu.memory_space<vmem>> -> memref<1x4096xf32, #tpu.memory_space<vmem>>
        %dma_wait3A_263 = tpu.memref_squeeze %dma_wait3A_262 : memref<1x4096xf32, #tpu.memory_space<vmem>> -> memref<4096xf32, #tpu.memory_space<vmem>>
        %dma_wait3A_264 = arith.constant 0 : i32
        %dma_wait3A_265 = tpu.memref_slice %arg4[%dma_wait3A_260, %dma_wait3A_264] : memref<832x16384xf32, #tpu.memory_space<hbm>> -> memref<1x4096xf32, #tpu.memory_space<hbm>>
        %dma_wait3A_266 = tpu.memref_squeeze %dma_wait3A_265 : memref<1x4096xf32, #tpu.memory_space<hbm>> -> memref<4096xf32, #tpu.memory_space<hbm>>
        %dma_wait3A_267 = arith.constant 0 : i32
        %dma_wait3A_268 = tpu.memref_slice %arg4[%dma_wait3A_260, %dma_wait3A_267] : memref<832x16384xf32, #tpu.memory_space<hbm>> -> memref<1x4096xf32, #tpu.memory_space<hbm>>
        %dma_wait3A_269 = tpu.memref_squeeze %dma_wait3A_268 : memref<1x4096xf32, #tpu.memory_space<hbm>> -> memref<4096xf32, #tpu.memory_space<hbm>>
        %dma_wait3A_270 = arith.constant 0 : i32
        %dma_wait3A_271 = tpu.memref_slice %arg7[%dma_wait3A_259, %dma_wait3A_270] : memref<2x4096xf32, #tpu.memory_space<vmem>> -> memref<1x4096xf32, #tpu.memory_space<vmem>>
        %dma_wait3A_272 = tpu.memref_squeeze %dma_wait3A_271 : memref<1x4096xf32, #tpu.memory_space<vmem>> -> memref<4096xf32, #tpu.memory_space<vmem>>
        tpu.wait_dma2 semaphore(%arg12 : memref<!tpu.dma_semaphore, #tpu.memory_space<semaphore_mem>>) src(%dma_wait3A_272 : memref<4096xf32, #tpu.memory_space<vmem>>) dst(%dma_wait3A_269 : memref<4096xf32, #tpu.memory_space<hbm>>)
      } else {
      }
      %parallel_loop3A_146 = arith.constant 0 : i32
      %parallel_loop3A_147 = arith.constant 256 : i32
      %parallel_loop3A_148 = arith.constant 1 : i32
      scf.for %parallel_loop3A_259 = %parallel_loop3A_146 to %parallel_loop3A_147 step %parallel_loop3A_148  : i32 {
        %parallel_loop3A_260 = arith.constant 16 : i32
        %parallel_loop3A_261 = arith.muli %parallel_loop3A_259, %parallel_loop3A_260 : i32
        %parallel_loop3A_262 = arith.constant 1 : i32
        %parallel_loop3A_263 = arith.index_cast %parallel_loop3A_262 : i32 to index
        %parallel_loop3A_264 = arith.index_cast %parallel_loop3A_261 : i32 to index
        %parallel_loop3A_265 = tpu.vector_load %arg6[%parallel_loop3A_263, %parallel_loop3A_264] {strides = array<i32>} : memref<2x4096xi32, #tpu.memory_space<vmem>>, vector<16xi32>,
        %parallel_loop3A_266 = tpu.vector_load_idx %arg5[%parallel_loop3A_265] : memref<100000xf32, #tpu.memory_space<vmem>>[vector<16xi32>], vector<16xf32>,
        %parallel_loop3A_267 = arith.constant 1 : i32
        %parallel_loop3A_268 = arith.index_cast %parallel_loop3A_267 : i32 to index
        %parallel_loop3A_269 = arith.index_cast %parallel_loop3A_261 : i32 to index
        %parallel_loop3A_270 = tpu.vector_load %arg7[%parallel_loop3A_268, %parallel_loop3A_269] {strides = array<i32>} : memref<2x4096xf32, #tpu.memory_space<vmem>>, vector<16xf32>,
        tpu.vector_store %arg7[%parallel_loop3A_268, %parallel_loop3A_269], %parallel_loop3A_266 {strides = array<i32>} : memref<2x4096xf32, #tpu.memory_space<vmem>>, vector<16xf32>,
      } {sc.loop_unroll_factor = 16 : i64, sc.parallel_access}
      %dma_start3A_149 = arith.constant 1 : i32
      %dma_start3A_150 = arith.constant 0 : i32
      %dma_start3A_151 = tpu.memref_slice %arg7[%dma_start3A_149, %dma_start3A_150] : memref<2x4096xf32, #tpu.memory_space<vmem>> -> memref<1x4096xf32, #tpu.memory_space<vmem>>
      %dma_start3A_152 = tpu.memref_squeeze %dma_start3A_151 : memref<1x4096xf32, #tpu.memory_space<vmem>> -> memref<4096xf32, #tpu.memory_space<vmem>>
      %dma_start3A_153 = arith.constant 4096 : i32
      %dma_start3A_154 = tpu.memref_slice %arg4[%add3A_48, %dma_start3A_153] : memref<832x16384xf32, #tpu.memory_space<hbm>> -> memref<1x4096xf32, #tpu.memory_space<hbm>>
      %dma_start3A_155 = tpu.memref_squeeze %dma_start3A_154 : memref<1x4096xf32, #tpu.memory_space<hbm>> -> memref<4096xf32, #tpu.memory_space<hbm>>
      %dma_start3A_156 = arith.constant 4096 : i32
      %dma_start3A_157 = tpu.memref_slice %arg4[%add3A_48, %dma_start3A_156] : memref<832x16384xf32, #tpu.memory_space<hbm>> -> memref<1x4096xf32, #tpu.memory_space<hbm>>
      %dma_start3A_158 = tpu.memref_squeeze %dma_start3A_157 : memref<1x4096xf32, #tpu.memory_space<hbm>> -> memref<4096xf32, #tpu.memory_space<hbm>>
      %dma_start3A_159 = arith.constant 0 : i32
      %dma_start3A_160 = tpu.memref_slice %arg7[%dma_start3A_149, %dma_start3A_159] : memref<2x4096xf32, #tpu.memory_space<vmem>> -> memref<1x4096xf32, #tpu.memory_space<vmem>>
      %dma_start3A_161 = tpu.memref_squeeze %dma_start3A_160 : memref<1x4096xf32, #tpu.memory_space<vmem>> -> memref<4096xf32, #tpu.memory_space<vmem>>
      tpu.enqueue_dma source(%dma_start3A_161 : memref<4096xf32, #tpu.memory_space<vmem>>) target(%dma_start3A_158 : memref<4096xf32, #tpu.memory_space<hbm>>) target_semaphore(%arg12 : memref<!tpu.dma_semaphore, #tpu.memory_space<semaphore_mem>>)
      %dma_wait3A_162 = arith.constant 0 : i32
      %dma_wait3A_163 = arith.constant 0 : i32
      %dma_wait3A_164 = arith.constant 0 : i32
      %dma_wait3A_165 = tpu.memref_slice %arg6[%dma_wait3A_163, %dma_wait3A_164] : memref<2x4096xi32, #tpu.memory_space<vmem>> -> memref<1x4096xi32, #tpu.memory_space<vmem>>
      %dma_wait3A_166 = tpu.memref_squeeze %dma_wait3A_165 : memref<1x4096xi32, #tpu.memory_space<vmem>> -> memref<4096xi32, #tpu.memory_space<vmem>>
      %dma_wait3A_167 = arith.constant 0 : i32
      %dma_wait3A_168 = tpu.memref_slice %arg2[%dma_wait3A_162, %dma_wait3A_167] : memref<26x16384xi32, #tpu.memory_space<hbm>> -> memref<1x4096xi32, #tpu.memory_space<hbm>>
      %dma_wait3A_169 = tpu.memref_squeeze %dma_wait3A_168 : memref<1x4096xi32, #tpu.memory_space<hbm>> -> memref<4096xi32, #tpu.memory_space<hbm>>
      %dma_wait3A_170 = arith.constant 0 : i32
      %dma_wait3A_171 = tpu.memref_slice %arg6[%dma_wait3A_163, %dma_wait3A_170] : memref<2x4096xi32, #tpu.memory_space<vmem>> -> memref<1x4096xi32, #tpu.memory_space<vmem>>
      %dma_wait3A_172 = tpu.memref_squeeze %dma_wait3A_171 : memref<1x4096xi32, #tpu.memory_space<vmem>> -> memref<4096xi32, #tpu.memory_space<vmem>>
      %dma_wait3A_173 = arith.constant 0 : i32
      %dma_wait3A_174 = tpu.memref_slice %arg2[%dma_wait3A_162, %dma_wait3A_173] : memref<26x16384xi32, #tpu.memory_space<hbm>> -> memref<1x4096xi32, #tpu.memory_space<hbm>>
      %dma_wait3A_175 = tpu.memref_squeeze %dma_wait3A_174 : memref<1x4096xi32, #tpu.memory_space<hbm>> -> memref<4096xi32, #tpu.memory_space<hbm>>
      tpu.wait_dma2 semaphore(%arg9 : memref<!tpu.dma_semaphore, #tpu.memory_space<semaphore_mem>>) src(%dma_wait3A_175 : memref<4096xi32, #tpu.memory_space<hbm>>) dst(%dma_wait3A_172 : memref<4096xi32, #tpu.memory_space<vmem>>)
      %dma_start3A_176 = arith.constant 1 : i32
      %dma_start3A_177 = arith.constant 0 : i32
      %dma_start3A_178 = tpu.memref_slice %arg6[%dma_start3A_176, %dma_start3A_177] : memref<2x4096xi32, #tpu.memory_space<vmem>> -> memref<1x4096xi32, #tpu.memory_space<vmem>>
      %dma_start3A_179 = tpu.memref_squeeze %dma_start3A_178 : memref<1x4096xi32, #tpu.memory_space<vmem>> -> memref<4096xi32, #tpu.memory_space<vmem>>
      %dma_start3A_180 = arith.constant 12288 : i32
      %dma_start3A_181 = tpu.memref_slice %arg2[%scan3A_45, %dma_start3A_180] : memref<26x16384xi32, #tpu.memory_space<hbm>> -> memref<1x4096xi32, #tpu.memory_space<hbm>>
      %dma_start3A_182 = tpu.memref_squeeze %dma_start3A_181 : memref<1x4096xi32, #tpu.memory_space<hbm>> -> memref<4096xi32, #tpu.memory_space<hbm>>
      %dma_start3A_183 = arith.constant 0 : i32
      %dma_start3A_184 = tpu.memref_slice %arg6[%dma_start3A_176, %dma_start3A_183] : memref<2x4096xi32, #tpu.memory_space<vmem>> -> memref<1x4096xi32, #tpu.memory_space<vmem>>
      %dma_start3A_185 = tpu.memref_squeeze %dma_start3A_184 : memref<1x4096xi32, #tpu.memory_space<vmem>> -> memref<4096xi32, #tpu.memory_space<vmem>>
      %dma_start3A_186 = arith.constant 12288 : i32
      %dma_start3A_187 = tpu.memref_slice %arg2[%scan3A_45, %dma_start3A_186] : memref<26x16384xi32, #tpu.memory_space<hbm>> -> memref<1x4096xi32, #tpu.memory_space<hbm>>
      %dma_start3A_188 = tpu.memref_squeeze %dma_start3A_187 : memref<1x4096xi32, #tpu.memory_space<hbm>> -> memref<4096xi32, #tpu.memory_space<hbm>>
      tpu.enqueue_dma source(%dma_start3A_188 : memref<4096xi32, #tpu.memory_space<hbm>>) target(%dma_start3A_185 : memref<4096xi32, #tpu.memory_space<vmem>>) target_semaphore(%arg10 : memref<!tpu.dma_semaphore, #tpu.memory_space<semaphore_mem>>)
      %mul3A_189 = arith.constant 4 : i32
      %mul3A_190 = arith.muli %scan3A_45, %mul3A_189 : i32
      %add3A_191 = arith.constant 2 : i32
      %add3A_192 = arith.addi %mul3A_190, %add3A_191 : i32
      %ge3A_193 = arith.constant 2 : i32
      %ge3A_194 = arith.cmpi sge, %add3A_192, %ge3A_193 : i32
      %convert_element_type3A_195 = arith.extui %ge3A_194 : i1 to i32
      %cond3A_196 = arith.constant 0 : i32
      %cond3A_197 = arith.cmpi ne, %convert_element_type3A_195, %cond3A_196 : i32
      scf.if %cond3A_197 {
        %dma_wait3A_259 = arith.constant 0 : i32
        %dma_wait3A_260 = arith.constant 0 : i32
        %dma_wait3A_261 = arith.constant 0 : i32
        %dma_wait3A_262 = tpu.memref_slice %arg7[%dma_wait3A_259, %dma_wait3A_261] : memref<2x4096xf32, #tpu.memory_space<vmem>> -> memref<1x4096xf32, #tpu.memory_space<vmem>>
        %dma_wait3A_263 = tpu.memref_squeeze %dma_wait3A_262 : memref<1x4096xf32, #tpu.memory_space<vmem>> -> memref<4096xf32, #tpu.memory_space<vmem>>
        %dma_wait3A_264 = arith.constant 0 : i32
        %dma_wait3A_265 = tpu.memref_slice %arg4[%dma_wait3A_260, %dma_wait3A_264] : memref<832x16384xf32, #tpu.memory_space<hbm>> -> memref<1x4096xf32, #tpu.memory_space<hbm>>
        %dma_wait3A_266 = tpu.memref_squeeze %dma_wait3A_265 : memref<1x4096xf32, #tpu.memory_space<hbm>> -> memref<4096xf32, #tpu.memory_space<hbm>>
        %dma_wait3A_267 = arith.constant 0 : i32
        %dma_wait3A_268 = tpu.memref_slice %arg4[%dma_wait3A_260, %dma_wait3A_267] : memref<832x16384xf32, #tpu.memory_space<hbm>> -> memref<1x4096xf32, #tpu.memory_space<hbm>>
        %dma_wait3A_269 = tpu.memref_squeeze %dma_wait3A_268 : memref<1x4096xf32, #tpu.memory_space<hbm>> -> memref<4096xf32, #tpu.memory_space<hbm>>
        %dma_wait3A_270 = arith.constant 0 : i32
        %dma_wait3A_271 = tpu.memref_slice %arg7[%dma_wait3A_259, %dma_wait3A_270] : memref<2x4096xf32, #tpu.memory_space<vmem>> -> memref<1x4096xf32, #tpu.memory_space<vmem>>
        %dma_wait3A_272 = tpu.memref_squeeze %dma_wait3A_271 : memref<1x4096xf32, #tpu.memory_space<vmem>> -> memref<4096xf32, #tpu.memory_space<vmem>>
        tpu.wait_dma2 semaphore(%arg11 : memref<!tpu.dma_semaphore, #tpu.memory_space<semaphore_mem>>) src(%dma_wait3A_272 : memref<4096xf32, #tpu.memory_space<vmem>>) dst(%dma_wait3A_269 : memref<4096xf32, #tpu.memory_space<hbm>>)
      } else {
      }
      %parallel_loop3A_198 = arith.constant 0 : i32
      %parallel_loop3A_199 = arith.constant 256 : i32
      %parallel_loop3A_200 = arith.constant 1 : i32
      scf.for %parallel_loop3A_259 = %parallel_loop3A_198 to %parallel_loop3A_199 step %parallel_loop3A_200  : i32 {
        %parallel_loop3A_260 = arith.constant 16 : i32
        %parallel_loop3A_261 = arith.muli %parallel_loop3A_259, %parallel_loop3A_260 : i32
        %parallel_loop3A_262 = arith.constant 0 : i32
        %parallel_loop3A_263 = arith.index_cast %parallel_loop3A_262 : i32 to index
        %parallel_loop3A_264 = arith.index_cast %parallel_loop3A_261 : i32 to index
        %parallel_loop3A_265 = tpu.vector_load %arg6[%parallel_loop3A_263, %parallel_loop3A_264] {strides = array<i32>} : memref<2x4096xi32, #tpu.memory_space<vmem>>, vector<16xi32>,
        %parallel_loop3A_266 = tpu.vector_load_idx %arg5[%parallel_loop3A_265] : memref<100000xf32, #tpu.memory_space<vmem>>[vector<16xi32>], vector<16xf32>,
        %parallel_loop3A_267 = arith.constant 0 : i32
        %parallel_loop3A_268 = arith.index_cast %parallel_loop3A_267 : i32 to index
        %parallel_loop3A_269 = arith.index_cast %parallel_loop3A_261 : i32 to index
        %parallel_loop3A_270 = tpu.vector_load %arg7[%parallel_loop3A_268, %parallel_loop3A_269] {strides = array<i32>} : memref<2x4096xf32, #tpu.memory_space<vmem>>, vector<16xf32>,
        tpu.vector_store %arg7[%parallel_loop3A_268, %parallel_loop3A_269], %parallel_loop3A_266 {strides = array<i32>} : memref<2x4096xf32, #tpu.memory_space<vmem>>, vector<16xf32>,
      } {sc.loop_unroll_factor = 16 : i64, sc.parallel_access}
      %dma_start3A_201 = arith.constant 0 : i32
      %dma_start3A_202 = arith.constant 0 : i32
      %dma_start3A_203 = tpu.memref_slice %arg7[%dma_start3A_201, %dma_start3A_202] : memref<2x4096xf32, #tpu.memory_space<vmem>> -> memref<1x4096xf32, #tpu.memory_space<vmem>>
      %dma_start3A_204 = tpu.memref_squeeze %dma_start3A_203 : memref<1x4096xf32, #tpu.memory_space<vmem>> -> memref<4096xf32, #tpu.memory_space<vmem>>
      %dma_start3A_205 = arith.constant 8192 : i32
      %dma_start3A_206 = tpu.memref_slice %arg4[%add3A_48, %dma_start3A_205] : memref<832x16384xf32, #tpu.memory_space<hbm>> -> memref<1x4096xf32, #tpu.memory_space<hbm>>
      %dma_start3A_207 = tpu.memref_squeeze %dma_start3A_206 : memref<1x4096xf32, #tpu.memory_space<hbm>> -> memref<4096xf32, #tpu.memory_space<hbm>>
      %dma_start3A_208 = arith.constant 8192 : i32
      %dma_start3A_209 = tpu.memref_slice %arg4[%add3A_48, %dma_start3A_208] : memref<832x16384xf32, #tpu.memory_space<hbm>> -> memref<1x4096xf32, #tpu.memory_space<hbm>>
      %dma_start3A_210 = tpu.memref_squeeze %dma_start3A_209 : memref<1x4096xf32, #tpu.memory_space<hbm>> -> memref<4096xf32, #tpu.memory_space<hbm>>
      %dma_start3A_211 = arith.constant 0 : i32
      %dma_start3A_212 = tpu.memref_slice %arg7[%dma_start3A_201, %dma_start3A_211] : memref<2x4096xf32, #tpu.memory_space<vmem>> -> memref<1x4096xf32, #tpu.memory_space<vmem>>
      %dma_start3A_213 = tpu.memref_squeeze %dma_start3A_212 : memref<1x4096xf32, #tpu.memory_space<vmem>> -> memref<4096xf32, #tpu.memory_space<vmem>>
      tpu.enqueue_dma source(%dma_start3A_213 : memref<4096xf32, #tpu.memory_space<vmem>>) target(%dma_start3A_210 : memref<4096xf32, #tpu.memory_space<hbm>>) target_semaphore(%arg11 : memref<!tpu.dma_semaphore, #tpu.memory_space<semaphore_mem>>)
      %dma_wait3A_214 = arith.constant 0 : i32
      %dma_wait3A_215 = arith.constant 1 : i32
      %dma_wait3A_216 = arith.constant 0 : i32
      %dma_wait3A_217 = tpu.memref_slice %arg6[%dma_wait3A_215, %dma_wait3A_216] : memref<2x4096xi32, #tpu.memory_space<vmem>> -> memref<1x4096xi32, #tpu.memory_space<vmem>>
      %dma_wait3A_218 = tpu.memref_squeeze %dma_wait3A_217 : memref<1x4096xi32, #tpu.memory_space<vmem>> -> memref<4096xi32, #tpu.memory_space<vmem>>
      %dma_wait3A_219 = arith.constant 0 : i32
      %dma_wait3A_220 = tpu.memref_slice %arg2[%dma_wait3A_214, %dma_wait3A_219] : memref<26x16384xi32, #tpu.memory_space<hbm>> -> memref<1x4096xi32, #tpu.memory_space<hbm>>
      %dma_wait3A_221 = tpu.memref_squeeze %dma_wait3A_220 : memref<1x4096xi32, #tpu.memory_space<hbm>> -> memref<4096xi32, #tpu.memory_space<hbm>>
      %dma_wait3A_222 = arith.constant 0 : i32
      %dma_wait3A_223 = tpu.memref_slice %arg6[%dma_wait3A_215, %dma_wait3A_222] : memref<2x4096xi32, #tpu.memory_space<vmem>> -> memref<1x4096xi32, #tpu.memory_space<vmem>>
      %dma_wait3A_224 = tpu.memref_squeeze %dma_wait3A_223 : memref<1x4096xi32, #tpu.memory_space<vmem>> -> memref<4096xi32, #tpu.memory_space<vmem>>
      %dma_wait3A_225 = arith.constant 0 : i32
      %dma_wait3A_226 = tpu.memref_slice %arg2[%dma_wait3A_214, %dma_wait3A_225] : memref<26x16384xi32, #tpu.memory_space<hbm>> -> memref<1x4096xi32, #tpu.memory_space<hbm>>
      %dma_wait3A_227 = tpu.memref_squeeze %dma_wait3A_226 : memref<1x4096xi32, #tpu.memory_space<hbm>> -> memref<4096xi32, #tpu.memory_space<hbm>>
      tpu.wait_dma2 semaphore(%arg10 : memref<!tpu.dma_semaphore, #tpu.memory_space<semaphore_mem>>) src(%dma_wait3A_227 : memref<4096xi32, #tpu.memory_space<hbm>>) dst(%dma_wait3A_224 : memref<4096xi32, #tpu.memory_space<vmem>>)
      %add3A_228 = arith.constant 1 : i32
      %add3A_229 = arith.addi %scan3A_45, %add3A_228 : i32
      %lt3A = arith.constant 26 : i32
      %lt3A_230 = arith.cmpi slt, %add3A_229, %lt3A : i32
      %convert_element_type3A_231 = arith.extui %lt3A_230 : i1 to i32
      %cond3A_232 = arith.constant 0 : i32
      %cond3A_233 = arith.cmpi ne, %convert_element_type3A_231, %cond3A_232 : i32
      scf.if %cond3A_233 {
        %add3A_259 = arith.constant 1 : i32
        %add3A_260 = arith.addi %scan3A_45, %add3A_259 : i32
        %dma_start3A_261 = arith.constant 0 : i32
        %dma_start3A_262 = arith.constant 0 : i32
        %dma_start3A_263 = tpu.memref_slice %arg6[%dma_start3A_261, %dma_start3A_262] : memref<2x4096xi32, #tpu.memory_space<vmem>> -> memref<1x4096xi32, #tpu.memory_space<vmem>>
        %dma_start3A_264 = tpu.memref_squeeze %dma_start3A_263 : memref<1x4096xi32, #tpu.memory_space<vmem>> -> memref<4096xi32, #tpu.memory_space<vmem>>
        %dma_start3A_265 = arith.constant 0 : i32
        %dma_start3A_266 = tpu.memref_slice %arg2[%add3A_260, %dma_start3A_265] : memref<26x16384xi32, #tpu.memory_space<hbm>> -> memref<1x4096xi32, #tpu.memory_space<hbm>>
        %dma_start3A_267 = tpu.memref_squeeze %dma_start3A_266 : memref<1x4096xi32, #tpu.memory_space<hbm>> -> memref<4096xi32, #tpu.memory_space<hbm>>
        %dma_start3A_268 = arith.constant 0 : i32
        %dma_start3A_269 = tpu.memref_slice %arg6[%dma_start3A_261, %dma_start3A_268] : memref<2x4096xi32, #tpu.memory_space<vmem>> -> memref<1x4096xi32, #tpu.memory_space<vmem>>
        %dma_start3A_270 = tpu.memref_squeeze %dma_start3A_269 : memref<1x4096xi32, #tpu.memory_space<vmem>> -> memref<4096xi32, #tpu.memory_space<vmem>>
        %dma_start3A_271 = arith.constant 0 : i32
        %dma_start3A_272 = tpu.memref_slice %arg2[%add3A_260, %dma_start3A_271] : memref<26x16384xi32, #tpu.memory_space<hbm>> -> memref<1x4096xi32, #tpu.memory_space<hbm>>
        %dma_start3A_273 = tpu.memref_squeeze %dma_start3A_272 : memref<1x4096xi32, #tpu.memory_space<hbm>> -> memref<4096xi32, #tpu.memory_space<hbm>>
        tpu.enqueue_dma source(%dma_start3A_273 : memref<4096xi32, #tpu.memory_space<hbm>>) target(%dma_start3A_270 : memref<4096xi32, #tpu.memory_space<vmem>>) target_semaphore(%arg9 : memref<!tpu.dma_semaphore, #tpu.memory_space<semaphore_mem>>)
      } else {
      }
      %mul3A_234 = arith.constant 4 : i32
      %mul3A_235 = arith.muli %scan3A_45, %mul3A_234 : i32
      %add3A_236 = arith.constant 3 : i32
      %add3A_237 = arith.addi %mul3A_235, %add3A_236 : i32
      %ge3A_238 = arith.constant 2 : i32
      %ge3A_239 = arith.cmpi sge, %add3A_237, %ge3A_238 : i32
      %convert_element_type3A_240 = arith.extui %ge3A_239 : i1 to i32
      %cond3A_241 = arith.constant 0 : i32
      %cond3A_242 = arith.cmpi ne, %convert_element_type3A_240, %cond3A_241 : i32
      scf.if %cond3A_242 {
        %dma_wait3A_259 = arith.constant 1 : i32
        %dma_wait3A_260 = arith.constant 0 : i32
        %dma_wait3A_261 = arith.constant 0 : i32
        %dma_wait3A_262 = tpu.memref_slice %arg7[%dma_wait3A_259, %dma_wait3A_261] : memref<2x4096xf32, #tpu.memory_space<vmem>> -> memref<1x4096xf32, #tpu.memory_space<vmem>>
        %dma_wait3A_263 = tpu.memref_squeeze %dma_wait3A_262 : memref<1x4096xf32, #tpu.memory_space<vmem>> -> memref<4096xf32, #tpu.memory_space<vmem>>
        %dma_wait3A_264 = arith.constant 0 : i32
        %dma_wait3A_265 = tpu.memref_slice %arg4[%dma_wait3A_260, %dma_wait3A_264] : memref<832x16384xf32, #tpu.memory_space<hbm>> -> memref<1x4096xf32, #tpu.memory_space<hbm>>
        %dma_wait3A_266 = tpu.memref_squeeze %dma_wait3A_265 : memref<1x4096xf32, #tpu.memory_space<hbm>> -> memref<4096xf32, #tpu.memory_space<hbm>>
        %dma_wait3A_267 = arith.constant 0 : i32
        %dma_wait3A_268 = tpu.memref_slice %arg4[%dma_wait3A_260, %dma_wait3A_267] : memref<832x16384xf32, #tpu.memory_space<hbm>> -> memref<1x4096xf32, #tpu.memory_space<hbm>>
        %dma_wait3A_269 = tpu.memref_squeeze %dma_wait3A_268 : memref<1x4096xf32, #tpu.memory_space<hbm>> -> memref<4096xf32, #tpu.memory_space<hbm>>
        %dma_wait3A_270 = arith.constant 0 : i32
        %dma_wait3A_271 = tpu.memref_slice %arg7[%dma_wait3A_259, %dma_wait3A_270] : memref<2x4096xf32, #tpu.memory_space<vmem>> -> memref<1x4096xf32, #tpu.memory_space<vmem>>
        %dma_wait3A_272 = tpu.memref_squeeze %dma_wait3A_271 : memref<1x4096xf32, #tpu.memory_space<vmem>> -> memref<4096xf32, #tpu.memory_space<vmem>>
        tpu.wait_dma2 semaphore(%arg12 : memref<!tpu.dma_semaphore, #tpu.memory_space<semaphore_mem>>) src(%dma_wait3A_272 : memref<4096xf32, #tpu.memory_space<vmem>>) dst(%dma_wait3A_269 : memref<4096xf32, #tpu.memory_space<hbm>>)
      } else {
      }
      %parallel_loop3A_243 = arith.constant 0 : i32
      %parallel_loop3A_244 = arith.constant 256 : i32
      %parallel_loop3A_245 = arith.constant 1 : i32
      scf.for %parallel_loop3A_259 = %parallel_loop3A_243 to %parallel_loop3A_244 step %parallel_loop3A_245  : i32 {
        %parallel_loop3A_260 = arith.constant 16 : i32
        %parallel_loop3A_261 = arith.muli %parallel_loop3A_259, %parallel_loop3A_260 : i32
        %parallel_loop3A_262 = arith.constant 1 : i32
        %parallel_loop3A_263 = arith.index_cast %parallel_loop3A_262 : i32 to index
        %parallel_loop3A_264 = arith.index_cast %parallel_loop3A_261 : i32 to index
        %parallel_loop3A_265 = tpu.vector_load %arg6[%parallel_loop3A_263, %parallel_loop3A_264] {strides = array<i32>} : memref<2x4096xi32, #tpu.memory_space<vmem>>, vector<16xi32>,
        %parallel_loop3A_266 = tpu.vector_load_idx %arg5[%parallel_loop3A_265] : memref<100000xf32, #tpu.memory_space<vmem>>[vector<16xi32>], vector<16xf32>,
        %parallel_loop3A_267 = arith.constant 1 : i32
        %parallel_loop3A_268 = arith.index_cast %parallel_loop3A_267 : i32 to index
        %parallel_loop3A_269 = arith.index_cast %parallel_loop3A_261 : i32 to index
        %parallel_loop3A_270 = tpu.vector_load %arg7[%parallel_loop3A_268, %parallel_loop3A_269] {strides = array<i32>} : memref<2x4096xf32, #tpu.memory_space<vmem>>, vector<16xf32>,
        tpu.vector_store %arg7[%parallel_loop3A_268, %parallel_loop3A_269], %parallel_loop3A_266 {strides = array<i32>} : memref<2x4096xf32, #tpu.memory_space<vmem>>, vector<16xf32>,
      } {sc.loop_unroll_factor = 16 : i64, sc.parallel_access}
      %dma_start3A_246 = arith.constant 1 : i32
      %dma_start3A_247 = arith.constant 0 : i32
      %dma_start3A_248 = tpu.memref_slice %arg7[%dma_start3A_246, %dma_start3A_247] : memref<2x4096xf32, #tpu.memory_space<vmem>> -> memref<1x4096xf32, #tpu.memory_space<vmem>>
      %dma_start3A_249 = tpu.memref_squeeze %dma_start3A_248 : memref<1x4096xf32, #tpu.memory_space<vmem>> -> memref<4096xf32, #tpu.memory_space<vmem>>
      %dma_start3A_250 = arith.constant 12288 : i32
      %dma_start3A_251 = tpu.memref_slice %arg4[%add3A_48, %dma_start3A_250] : memref<832x16384xf32, #tpu.memory_space<hbm>> -> memref<1x4096xf32, #tpu.memory_space<hbm>>
      %dma_start3A_252 = tpu.memref_squeeze %dma_start3A_251 : memref<1x4096xf32, #tpu.memory_space<hbm>> -> memref<4096xf32, #tpu.memory_space<hbm>>
      %dma_start3A_253 = arith.constant 12288 : i32
      %dma_start3A_254 = tpu.memref_slice %arg4[%add3A_48, %dma_start3A_253] : memref<832x16384xf32, #tpu.memory_space<hbm>> -> memref<1x4096xf32, #tpu.memory_space<hbm>>
      %dma_start3A_255 = tpu.memref_squeeze %dma_start3A_254 : memref<1x4096xf32, #tpu.memory_space<hbm>> -> memref<4096xf32, #tpu.memory_space<hbm>>
      %dma_start3A_256 = arith.constant 0 : i32
      %dma_start3A_257 = tpu.memref_slice %arg7[%dma_start3A_246, %dma_start3A_256] : memref<2x4096xf32, #tpu.memory_space<vmem>> -> memref<1x4096xf32, #tpu.memory_space<vmem>>
      %dma_start3A_258 = tpu.memref_squeeze %dma_start3A_257 : memref<1x4096xf32, #tpu.memory_space<vmem>> -> memref<4096xf32, #tpu.memory_space<vmem>>
      tpu.enqueue_dma source(%dma_start3A_258 : memref<4096xf32, #tpu.memory_space<vmem>>) target(%dma_start3A_255 : memref<4096xf32, #tpu.memory_space<hbm>>) target_semaphore(%arg12 : memref<!tpu.dma_semaphore, #tpu.memory_space<semaphore_mem>>)
    }
    %scan3A_17 = arith.constant 26 : i32
    %dma_wait3A = arith.constant 0 : i32
    %dma_wait3A_18 = arith.constant 0 : i32
    %dma_wait3A_19 = arith.constant 0 : i32
    %dma_wait3A_20 = tpu.memref_slice %arg7[%dma_wait3A, %dma_wait3A_19] : memref<2x4096xf32, #tpu.memory_space<vmem>> -> memref<1x4096xf32, #tpu.memory_space<vmem>>
    %dma_wait3A_21 = tpu.memref_squeeze %dma_wait3A_20 : memref<1x4096xf32, #tpu.memory_space<vmem>> -> memref<4096xf32, #tpu.memory_space<vmem>>
    %dma_wait3A_22 = arith.constant 0 : i32
    %dma_wait3A_23 = tpu.memref_slice %arg4[%dma_wait3A_18, %dma_wait3A_22] : memref<832x16384xf32, #tpu.memory_space<hbm>> -> memref<1x4096xf32, #tpu.memory_space<hbm>>
    %dma_wait3A_24 = tpu.memref_squeeze %dma_wait3A_23 : memref<1x4096xf32, #tpu.memory_space<hbm>> -> memref<4096xf32, #tpu.memory_space<hbm>>
    %dma_wait3A_25 = arith.constant 0 : i32
    %dma_wait3A_26 = tpu.memref_slice %arg4[%dma_wait3A_18, %dma_wait3A_25] : memref<832x16384xf32, #tpu.memory_space<hbm>> -> memref<1x4096xf32, #tpu.memory_space<hbm>>
    %dma_wait3A_27 = tpu.memref_squeeze %dma_wait3A_26 : memref<1x4096xf32, #tpu.memory_space<hbm>> -> memref<4096xf32, #tpu.memory_space<hbm>>
    %dma_wait3A_28 = arith.constant 0 : i32
    %dma_wait3A_29 = tpu.memref_slice %arg7[%dma_wait3A, %dma_wait3A_28] : memref<2x4096xf32, #tpu.memory_space<vmem>> -> memref<1x4096xf32, #tpu.memory_space<vmem>>
    %dma_wait3A_30 = tpu.memref_squeeze %dma_wait3A_29 : memref<1x4096xf32, #tpu.memory_space<vmem>> -> memref<4096xf32, #tpu.memory_space<vmem>>
    tpu.wait_dma2 semaphore(%arg11 : memref<!tpu.dma_semaphore, #tpu.memory_space<semaphore_mem>>) src(%dma_wait3A_30 : memref<4096xf32, #tpu.memory_space<vmem>>) dst(%dma_wait3A_27 : memref<4096xf32, #tpu.memory_space<hbm>>)
    %dma_wait3A_31 = arith.constant 1 : i32
    %dma_wait3A_32 = arith.constant 0 : i32
    %dma_wait3A_33 = arith.constant 0 : i32
    %dma_wait3A_34 = tpu.memref_slice %arg7[%dma_wait3A_31, %dma_wait3A_33] : memref<2x4096xf32, #tpu.memory_space<vmem>> -> memref<1x4096xf32, #tpu.memory_space<vmem>>
    %dma_wait3A_35 = tpu.memref_squeeze %dma_wait3A_34 : memref<1x4096xf32, #tpu.memory_space<vmem>> -> memref<4096xf32, #tpu.memory_space<vmem>>
    %dma_wait3A_36 = arith.constant 0 : i32
    %dma_wait3A_37 = tpu.memref_slice %arg4[%dma_wait3A_32, %dma_wait3A_36] : memref<832x16384xf32, #tpu.memory_space<hbm>> -> memref<1x4096xf32, #tpu.memory_space<hbm>>
    %dma_wait3A_38 = tpu.memref_squeeze %dma_wait3A_37 : memref<1x4096xf32, #tpu.memory_space<hbm>> -> memref<4096xf32, #tpu.memory_space<hbm>>
    %dma_wait3A_39 = arith.constant 0 : i32
    %dma_wait3A_40 = tpu.memref_slice %arg4[%dma_wait3A_32, %dma_wait3A_39] : memref<832x16384xf32, #tpu.memory_space<hbm>> -> memref<1x4096xf32, #tpu.memory_space<hbm>>
    %dma_wait3A_41 = tpu.memref_squeeze %dma_wait3A_40 : memref<1x4096xf32, #tpu.memory_space<hbm>> -> memref<4096xf32, #tpu.memory_space<hbm>>
    %dma_wait3A_42 = arith.constant 0 : i32
    %dma_wait3A_43 = tpu.memref_slice %arg7[%dma_wait3A_31, %dma_wait3A_42] : memref<2x4096xf32, #tpu.memory_space<vmem>> -> memref<1x4096xf32, #tpu.memory_space<vmem>>
    %dma_wait3A_44 = tpu.memref_squeeze %dma_wait3A_43 : memref<1x4096xf32, #tpu.memory_space<vmem>> -> memref<4096xf32, #tpu.memory_space<vmem>>
    tpu.wait_dma2 semaphore(%arg12 : memref<!tpu.dma_semaphore, #tpu.memory_space<semaphore_mem>>) src(%dma_wait3A_44 : memref<4096xf32, #tpu.memory_space<vmem>>) dst(%dma_wait3A_41 : memref<4096xf32, #tpu.memory_space<hbm>>)
    return
  }
}

</mosaic_0001>

<sc_bundles>
// kernel: kernel.3.cloned.1.call-start
scs
__scs_entry_jumppad:
0x0: {  	(pc) =	sbr.rel $0x88, $3  }
0x1: {  	(tag) =	ssettag $0x0;
	lr =	simm.s32 $0x1  }
0x2: {  	[smem:$0x3F9F] =	sst lr;
	_ =	strace $0xD0000000  }
0x3: {  	_ = 	snop  }
0x4: {  	_ = 	snop  }
0x5: {  	_ = 	snop  }
0x6: {  	_ = 	snop  }
0x7: {  	_ = 	snop  }
__scs_overlays_trampoline_lowered:
0x8: {  	[smem:$0x3FAE] =	sst s0  }
0x9: {  	[smem:$0x3FAF] =	sst s1  }
0xa: {  	[smem:$0x3FB0] =	sst s2  }
0xb: {  	[smem:$0x3FB1] =	sst s3  }
0xc: {  	[smem:$0x3FB2] =	sst s4  }
0xd: {  	[smem:$0x3FB3] =	sst s5  }
0xe: {  	[smem:$0x3FB4] =	sst s6  }
0xf: {  	[smem:$0x3FB5] =	sst s7  }
0x10: {  	[smem:$0x3FB6] =	sst s8  }
0x11: {  	[smem:$0x3FB7] =	sst s9;
	s0 =	simm.s32 @!p0 $0x0  }
0x12: {  	s1 =	sld [smem:$0x3F9D];
	s0 =	simm.s32 @p0 $0x1  }
0x13: {  	[smem:$0x3FB8] =	sst s0;
	s0 =	simm.s32 @!p1 $0x0  }
0x14: {  	s2 =	sld [smem:$0x3F9C];
	s0 =	simm.s32 @p1 $0x1  }
0x15: {  	[smem:$0x3FB9] =	sst s0;
	s0 =	simm.s32 @!p2 $0x0  }
0x16: {  	s3 =	sld [smem:$0x3FDB];
	s0 =	simm.s32 @p2 $0x1  }
0x17: {  	s4 =	simm.s32 $0x1BF5;
	[smem:$0x3FBB] =	sst s0  }
0x18: {  	s0 =	sld [smem:$0x3F9E];
	_ =	swait.ge [sflag:s4], $0x0  }
0x19: {  	s7 =	sld [smem:$0x3F9F]  }
0x1a: {  	s8 =	sadd.s32 $0xFFFFE003, lr  }
0x1b: {  	s9 =	sadd.s32 $0xFFFFFEF7, lr;
	s5 =	simm.s32 $0xFFFFFFFF;
	p2 =	slt.u32 s8, $0xFFFFF086  }
0x1c: {  	p1 =	slt.u32 s9, $0xF7A;
	s5 =	simm.s32 @!p2 $0x0  }
0x1d: {  	s5 =	simm.s32 @p1 $0x1;
	p0 =	seq.s32 s7, s2  }
0x1e: {  	s7 =	smul.u32 @!p0 $0xF7A, s2;
	p2 =	seq.s32 @!p0 s5, $0x0  }
0x1f: {  	s9 =	smul.u32 $0xF7A, s1;
	s8 =	simm.s32 @!p0 $0x1BF5;
	p2 =	por !p2, p0  }
0x20: {  	[sflag:s8] =	ssyncset.s32 @!p0 $0xFFFFF086;
	s6 =	sadd.s32 @!p0 s3, s7;
	s7 =	simm.s32 @!p0 $0x108  }
0x21: {  	s3 =	sadd.s32 s3, s9;
	s6 =	sadd.s32 @!p0 $0x88, s6;
	s7 =	simm.s32 @p2 $0x1082  }
0x22: {  	[simem:s7], [sflag:s8] =	dma.local @!p0 [hbm:s6], $0xF7A  }
0x23: {  	s9 =	sor.u32 $0xD0000000, s2;
	s6 =	simm.s32 $0x108;
	_ =	swait.ge @!p0 [sflag:s8], $0x0  }
0x24: {  	s3 =	sadd.s32 $0x88, s3;
	s6 =	simm.s32 @!p1 $0x1082;
	[sflag:s4] =	ssyncset.s32 $0xFFFFF086  }
0x25: {  	[simem:s6], [sflag:s4] =	dma.local [hbm:s3], $0xF7A  }
0x26: {  	[smem:$0x3F9F] =	sst s1;
	(tag) =	ssettag s2;
	_ =	strace s9  }
0x27: {  	s1 =	sld [smem:$0x3FAF]  }
0x28: {  	s2 =	sld [smem:$0x3FB0]  }
0x29: {  	s4 =	sld [smem:$0x3FB2]  }
0x2a: {  	p0 =	seq.s32 s5, $0x0;
	s5 =	sld [smem:$0x3FB3]  }
0x2b: {  	s6 =	sld [smem:$0x3FB4]  }
0x2c: {  	s7 =	sld [smem:$0x3FB5]  }
0x2d: {  	s3 =	simm.s32 $0x108;
	s8 =	sld [smem:$0x3FB6]  }
0x2e: {  	s3 =	simm.s32 @!p0 $0x1082;
	s9 =	sld [smem:$0x3FB7]  }
0x2f: {  	lr =	sadd.s32 s0, s3;
	s0 =	sld [smem:$0x3FAE]  }
0x30: {  	s3 =	sld [smem:$0x3FB1]  }
0x31: {  	[smem:$0x3FBA] =	sst s10  }
0x32: {  	s10 =	sld [smem:$0x3FB8];
	_ =	sdelay $0x3  }
0x33: {  	p0 =	seq.s32 s10, $0x1;
	s10 =	sld [smem:$0x3FBA];
	_ =	sdelay $0x3  }
0x34: {  	[smem:$0x3FBA] =	sst s10  }
0x35: {  	s10 =	sld [smem:$0x3FB9];
	_ =	sdelay $0x3  }
0x36: {  	p1 =	seq.s32 s10, $0x1;
	s10 =	sld [smem:$0x3FBA];
	_ =	sdelay $0x3  }
0x37: {  	[smem:$0x3FBA] =	sst s10  }
0x38: {  	s10 =	sld [smem:$0x3FBB]  }
0x39: {  	_ = 	snop;
	(pc) =	sbr.ind lr, $3  }
0x3a: {  	_ = 	snop  }
0x3b: {  	_ = 	snop  }
0x3c: {  	p2 =	seq.s32 s10, $0x1;
	s10 =	sld [smem:$0x3FBA]  }
0x3d: {  	_ =	shalt  }
0x3e: {  	_ =	shalt  }
0x3f: {  	_ =	shalt  }
0x40: {  	_ =	shalt  }
0x41: {  	_ =	shalt  }
0x42: {  	_ =	shalt  }
0x43: {  	_ =	shalt  }
0x44: {  	_ =	shalt  }
0x45: {  	_ =	shalt  }
0x46: {  	_ =	shalt  }
0x47: {  	_ =	shalt  }
0x48: {  	_ =	shalt  }
0x49: {  	_ =	shalt  }
0x4a: {  	_ =	shalt  }
0x4b: {  	_ =	shalt  }
0x4c: {  	_ =	shalt  }
0x4d: {  	_ =	shalt  }
0x4e: {  	_ =	shalt  }
0x4f: {  	_ =	shalt  }
0x50: {  	_ =	shalt  }
0x51: {  	_ =	shalt  }
0x52: {  	_ =	shalt  }
0x53: {  	_ =	shalt  }
0x54: {  	_ =	shalt  }
0x55: {  	_ =	shalt  }
0x56: {  	_ =	shalt  }
0x57: {  	_ =	shalt  }
0x58: {  	_ =	shalt  }
0x59: {  	_ =	shalt  }
0x5a: {  	_ =	shalt  }
0x5b: {  	_ =	shalt  }
0x5c: {  	_ =	shalt  }
0x5d: {  	_ =	shalt  }
0x5e: {  	_ =	shalt  }
0x5f: {  	_ =	shalt  }
0x60: {  	_ =	shalt  }
0x61: {  	_ =	shalt  }
0x62: {  	_ =	shalt  }
0x63: {  	_ =	shalt  }
0x64: {  	_ =	shalt  }
0x65: {  	_ =	shalt  }
0x66: {  	_ =	shalt  }
0x67: {  	_ =	shalt  }
0x68: {  	_ =	shalt  }
0x69: {  	_ =	shalt  }
0x6a: {  	_ =	shalt  }
0x6b: {  	_ =	shalt  }
0x6c: {  	_ =	shalt  }
0x6d: {  	_ =	shalt  }
0x6e: {  	_ =	shalt  }
0x6f: {  	_ =	shalt  }
0x70: {  	_ =	shalt  }
0x71: {  	_ =	shalt  }
0x72: {  	_ =	shalt  }
0x73: {  	_ =	shalt  }
0x74: {  	_ =	shalt  }
0x75: {  	_ =	shalt  }
0x76: {  	_ =	shalt  }
0x77: {  	_ =	shalt  }
0x78: {  	_ =	shalt  }
0x79: {  	_ =	shalt  }
0x7a: {  	_ =	shalt  }
0x7b: {  	_ =	shalt  }
0x7c: {  	_ =	shalt  }
0x7d: {  	_ =	shalt  }
0x7e: {  	_ =	shalt  }
0x7f: {  	_ =	shalt  }
0x80: {  	_ =	shalt  }
0x81: {  	_ =	shalt  }
0x82: {  	_ =	shalt  }
0x83: {  	_ =	shalt  }
0x84: {  	_ =	shalt  }
0x85: {  	_ =	shalt  }
0x86: {  	_ =	shalt  }
0x87: {  	_ =	shalt  }
.Lfunc_end0:
.L_simem_size_0:
called_computation_lowered:
.L_overlay_start_0:
0x88: {  	s2 =	sld [smem:$0x3FD9]  }
0x89: {  	s3 =	sld [smem:$0x3FFE];
	_ =	sdelay $0x1  }
0x8a: {  	s1 =	srdreg.scid  }
0x8b: {  	s0 =	sand.u32 $0x1, s1  }
0x8c: {  	s18 =	sshll.u32 s0, $0xA;
	s2 =	sadd.s32 s3, s2  }
0x8d: {  	s2 =	sadd.s32 s2, s18  }
0x8e: {  	[smem:$0x3FC6] =	sst s2  }
0x8f: {  	_ = 	snop  }
0x90: {  	s2 =	sld [smem:$0x3FC9]  }
0x91: {  	s19 =	sld [smem:$0x3FC8]  }
0x92: {  	s4 =	sld [smem:$0x3FD0];
	(tm) =	ssettm $0x1  }
0x93: {  	s5 =	sld [smem:$0x3FFB];
	_ =	sdelay $0x3  }
0x94: {  	_ =	strace s5  }
0x95: {  	s5 =	sld [smem:$0x3FFC];
	_ =	sdelay $0x3  }
0x96: {  	_ =	strace s5  }
0x97: {  	s5 =	sld [smem:$0x3FFD];
	_ =	sdelay $0x3  }
0x98: {  	_ =	strace s5  }
0x99: {  	_ =	strace $0x8FFFFFFF  }
0x9a: {  	s20 =	sld [smem:$0x3FDB];
	_ =	sdelay $0x1  }
0x9b: {  	s6 =	simm.s32 $_scs_section_size  }
0x9c: {  	s7 =	simm.s32 $_size__tile_overlayer_lowered;
	s8 =	simm.s32 $_tile_overlayer_lowered  }
0x9d: {  	s23 =	simm.s32 $0x1BFF;
	s22 =	sshll.u32 s8, $0x1;
	s5 =	sadd.s32 s6, s20  }
0x9e: {  	s9 =	simm.s32 $0x0;
	s21 =	sshll.u32 s7, $0x1;
	s7 =	sadd.s32 s22, s5  }
0x9f: {  	[timem:s9], [sflag:s23] =	dma.local [hbm:s7], s21  }
0xa0: {  	_ =	swait.ge [sflag:s23], s21  }
0xa1: {  	s6 =	ssub.s32 $0x0, s21;
	[sflag:s23] =	ssyncset.done $0x0  }
0xa2: {  	[sflag:s23] =	ssyncadd.s32 s6;
	_ =	sdelay $0x1  }
0xa3: {  	s24 =	simm.s32 $0x1B8B  }
0xa4: {  	_ =	swait.ge [sflag:s24], $0x1  }
0xa5: {  	[sflag:s24] =	ssyncset.done $0x0  }
0xa6: {  	s25 =	simm.s32 $0x1B8E;
	[sflag:s24] =	ssyncadd.s32 $0xFFFFFFFF  }
0xa7: {  	s26 =	simm.s32 $execute0_lowered;
	[smem:$0x3FD2] =	sst s25  }
0xa8: {  	s6 =	sshll.u32 s26, $0x1;
	_ =	strace $0x80000046;
	[dreg:$0x1] =	wrdreg $0xFFFFFFFF  }
0xa9: {  	s28 =	simm.s32 $_size_execute0_lowered;
	s5 =	sadd.s32 s5, s6;
	[dreg:$0x0] =	wrdreg $0x0  }
0xaa: {  	s6 =	sshll.u32 s28, $0x1;
	[dreg:$0x2] =	wrdreg s5  }
0xab: {  	[dreg:$0x3] =	wrdreg s6  }
0xac: {  	[dreg:$0x4] =	wrdreg $0xC0  }
0xad: {  	_ =	task [dreg:s9], $0x5FFFF  }
0xae: {  	[dreg:$0x1] =	wrdreg $0xFFFFFFFF  }
0xaf: {  	[dreg:$0x0] =	wrdreg $0x60  }
0xb0: {  	[dreg:$0x2] =	wrdreg s2  }
0xb1: {  	[dreg:$0x3] =	wrdreg s19  }
0xb2: {  	[dreg:$0x4] =	wrdreg s4  }
0xb3: {  	[dreg:$0x5] =	wrdreg $0x9  }
0xb4: {  	_ =	task.clear_ibuf [dreg:s9], $0x6FFFF;
	_ =	strace $0x90000046  }
0xb5: {  	s29 =	simm.s32 $0x9;
	_ =	strace $0x80000048  }
0xb6: {  	_ =	swait.ge [sflag:s29], $0x1  }
0xb7: {  	[sflag:s29] =	ssyncadd.s32 $0xFFFFFFFF  }
0xb8: {  	_ =	strace $0x90000048  }
0xb9: {  	_ =	sfence  }
0xba: {  	s30 =	sld [smem:$0x0];
	_ =	sdelay $0x2  }
0xbb: {  	s31 =	sshll.u32 s1, $0xD;
	s1 =	sshrl.u32 s1, $0x2  }
0xbc: {  	s3 =	sand.u32 $0x4000, s31;
	s1 =	sadd.s32 s1, s30  }
0xbd: {  	s0 =	sor.u32 s3, s0;
	s1 =	sshll.u32 s1, $0x11  }
0xbe: {  	s0 =	sor.u32 s1, s0  }
0xbf: {  	s0 =	sadd.s32 $0x8F2B, s0  }
0xc0: {  	[sflag:s0] =	ssyncadd.remote.s32 $0x1  }
0xc1: {  	_ =	sfence.sel $0xFFFF  }
0xc2: {  	[dreg:$0x0] =	wrdreg $0xFFFFFFFF;
	(pc) =	sbr.abs _section_cstart, $3  }
0xc3: {  	[dreg:$0x1] =	wrdreg $0xFFFFFFFF  }
0xc4: {  	_ =	task.clear_ibuf [dreg:s9], $0x2FFFF;
	_ =	strace $0x9FFFFFFF  }
0xc5: {  	(tm) =	ssettm $0x7FFFFFFF  }
tec
execute0_lowered:
.L_overlay_start_1:
0x0: {  	(tag) =	ssettag $0x1  }
0x1: {  	s2 =	rddreg [dreg:$0x0]  }
0x2: {  	s3 =	rddreg [dreg:$0x1]  }
0x3: {  	s4 =	rddreg [dreg:$0x2]  }
0x4: {  	s0 =	srdreg.scid;
	s1 =	stileid.u32  }
0x5: {  	s6 =	simm.s32 $0x0;
	s15 =	simm.s32 $0x80;
	s16 =	simm.s32 $0x400  }
0x6: {  	s17 =	simm.s32 $0x1;
	s18 =	simm.s32 $0x2;
	s19 =	simm.s32 $0x3  }
0x7: {  	s20 =	simm.s32 $0x4;
	s21 =	simm.s32 $0x5;
	s22 =	simm.s32 $0x0  }
0x8: {  	s23 =	simm.s32 $0x0;
	s0 =	sand.u32 $0x1, s0;
	s5 =	sshll.u32 s1, $0x1  }
0x9: {  	[smem:$0x7FF] =	sst s6;
	s9 =	sadd.s32 $0x2000, s2;
	s10 =	sadd.s32 $0x1000, s4  }
0xa: {  	s11 =	sadd.s32 $0x3000, s2;
	s12 =	sadd.s32 $0x2000, s4;
	s7 =	ssub.s32 $0x2, s0  }
0xb: {  	s13 =	sadd.s32 $0x3000, s4;
	s0 =	sor.u32 s0, s5;
	s8 =	sshrl.u32 s7, $0x1  }
0xc: {  	_ =	strace $0x80000047;
	s0 =	sshll.u32 s0, $0x7;
	s14 =	ssub.s32 s7, s8  }
0xd: {  	s7 =	sand.u32 $0x380, s0;
	s8 =	sadd.s32 $0x1000, s2;
	s14 =	smax.u32 s14, $0x1  }
.LBB2_1:
0xe: {  	s24 =	simm.s32 $0x18700;
	s0 =	sadd.s32 $0x0, s2;
	s25 =	simm.s32 $0x80  }
0xf: {  	[tilespmem:s24], [sflag:$0x2] =	stream.linear.gather [hbm4b:s0+s6], $0x80, $0x38;
	[tilespmem:$0x1C700] =	vst v63  }
.LBB2_2:
0x10: {  	p0 =	seq.s32 s25, $0xF80  }
.Ltmp0:
0x11: {  	_ = 	snop;
	(pc) =	sbr.rel @!p0 .LBB2_2-.Ltmp0, $4  }
0x12: {  	_ = 	snop  }
0x13: {  	s0 =	sadd.s32 s25, s2;
	s24 =	sadd.s32 $0x100, s24  }
0x14: {  	s25 =	sadd.s32 $0x80, s25  }
0x15: {  	[tilespmem:s24], [sflag:$0x2] =	stream.linear.gather [hbm4b:s0+s23], $0x80, $0x38;
	[tilespmem:$0x1C700] =	vst v63  }
0x16: {  	s24 =	simm.s32 $0x0  }
.LBB2_5:
0x17: {  	s0 =	sshll.u32 s24, $0x5  }
0x18: {  	s0 =	sor.u32 s5, s0  }
0x19: {  	s25 =	sshrl.u32 s0, $0x3  }
0x1a: {  	s0 =	smul.u32 $0xC3800, s25;
	_ =	sdelay $0x1  }
0x1b: {  	s0 =	sor.u32 s7, s0  }
0x1c: {  	s0 =	sshrl.u32 s0, $0x3  }
0x1d: {  	s0 =	sadd.s32 s3, s0  }
0x1e: {  	[tilespmem:s23], [sflag:$0x1] =	stream.strided.gather [hbm4b:s0+s15], $0x18700, s16, s15, $0x38;
	[tilespmem:$0x1C700] =	vst v63  }
0x1f: {  	_ =	swait.ge [sflag:s17], $0x18700  }
0x20: {  	s26 =	sshll.u32 s24, $0x4;
	s0 =	sshll.u32 s24, $0xB;
	[sflag:s17] =	ssyncset.done $0x0  }
0x21: {  	s26 =	sand.u32 $0x70, s26;
	s0 =	sand.u32 $0xC000, s0;
	[sflag:s17] =	ssyncadd.s32 $0xFFFE7900  }
0x22: {  	s29 =	simm.s32 $0x18780;
	s26 =	sor.u32 s26, s0;
	_ =	swait.ge [sflag:s18], $0x1000  }
0x23: {  	s30 =	simm.s32 $0x80;
	s28 =	sadd.s32 s26, s8;
	[sflag:s18] =	ssyncset.done $0x0  }
0x24: {  	s31 =	simm.s32 $0x18880;
	s0 =	sadd.s32 $0x0, s28;
	[sflag:s18] =	ssyncadd.s32 $0xFFFFF000  }
.LBB2_6:
0x25: {  	[tilespmem:s29], [sflag:$0x3] =	stream.linear.gather [hbm4b:s0+s6], $0x80, $0x38;
	[tilespmem:$0x1C700] =	vst v63  }
0x26: {  	s0 =	smov.u32 s30;
	s29 =	smov.u32 s31;
	p0 =	sne.s32 s30, $0xF80  }
.Ltmp1:
0x27: {  	s30 =	sadd.s32 $0x80, s30;
	(pc) =	sbr.rel @p0 .LBB2_6-.Ltmp1, $2  }
0x28: {  	_ =	sdelay $0x2  }
0x29: {  	s31 =	sadd.s32 $0x100, s31;
	s0 =	sadd.s32 s0, s28  }
0x2a: {  	[tilespmem:s29], [sflag:$0x3] =	stream.linear.gather [hbm4b:s0+s6], $0x80, $0x38;
	[tilespmem:$0x1C700] =	vst v63  }
0x2b: {  	p0 =	seq.s32 s24, $0x0  }
0x2c: {  	s0 =	simm.s32 @!p0 $0x4  }
0x2d: {  	_ =	swait.ge @!p0 [sflag:s0], $0x1000  }
0x2e: {  	[sflag:s0] =	ssyncset.done @!p0 $0x0  }
0x2f: {  	s31 =	simm.s32 $0x18800;
	[sflag:s0] =	ssyncadd.s32 @!p0 $0xFFFFF000  }
0x30: {  	v0 =	vld [tilespmem:s31+$0x70]  }
0x31: {  	v1 =	vld [tilespmem:s31+$0xFFFFFF10]  }
0x32: {  	v2 =	vld [tilespmem:s31+$0xFFFFFF20]  }
0x33: {  	v3 =	vld [tilespmem:s31+$0xFFFFFF30]  }
0x34: {  	v4 =	vld [tilespmem:s31+$0xFFFFFF40]  }
0x35: {  	v5 =	vld [tilespmem:s31+$0xFFFFFF50]  }
0x36: {  	v6 =	vld [tilespmem:s31+$0xFFFFFF60]  }
0x37: {  	v7 =	vld [tilespmem:s31+$0xFFFFFF70]  }
0x38: {  	v8 =	vld [tilespmem:s31+$0x0]  }
0x39: {  	v9 =	vld [tilespmem:s31+$0x10]  }
0x3a: {  	v10 =	vld [tilespmem:s31+$0x20]  }
0x3b: {  	v11 =	vld [tilespmem:s31+$0x30]  }
0x3c: {  	v12 =	vld [tilespmem:s31+$0x40]  }
0x3d: {  	v13 =	vld [tilespmem:s31+$0x50]  }
0x3e: {  	v14 =	vld [tilespmem:s31+$0x60]  }
0x3f: {  	v15 =	vld [tilespmem:s31+$0xFFFFFF00]  }
0x40: {  	v0 =	vld.idx.msk [tilespmem:v0+s6+$0x0], $0xffff  }
0x41: {  	v1 =	vld.idx.msk [tilespmem:v1+s6+$0x0], $0xffff  }
0x42: {  	v2 =	vld.idx.msk [tilespmem:v2+s6+$0x0], $0xffff  }
0x43: {  	v3 =	vld.idx.msk [tilespmem:v3+s6+$0x0], $0xffff  }
0x44: {  	v4 =	vld.idx.msk [tilespmem:v4+s6+$0x0], $0xffff  }
0x45: {  	s28 =	simm.s32 $0x1A800;
	v5 =	vld.idx.msk [tilespmem:v5+s6+$0x0], $0xffff  }
0x46: {  	v6 =	vld.idx.msk [tilespmem:v6+s6+$0x0], $0xffff;
	[tilespmem:s28+$0x70] =	vst v0  }
0x47: {  	v7 =	vld.idx.msk [tilespmem:v7+s6+$0x0], $0xffff;
	[tilespmem:s28+$0xFFFFFF10] =	vst v1  }
0x48: {  	v15 =	vld.idx.msk [tilespmem:v15+s6+$0x0], $0xffff;
	[tilespmem:s28+$0xFFFFFF20] =	vst v2  }
0x49: {  	v8 =	vld.idx.msk [tilespmem:v8+s6+$0x0], $0xffff;
	[tilespmem:s28+$0xFFFFFF30] =	vst v3  }
0x4a: {  	[tilespmem:s28+$0xFFFFFF40] =	vst v4;
	v0 =	vld.idx.msk [tilespmem:v9+s6+$0x0], $0xffff  }
0x4b: {  	[tilespmem:s28+$0xFFFFFF50] =	vst v5;
	v1 =	vld.idx.msk [tilespmem:v10+s6+$0x0], $0xffff  }
0x4c: {  	[tilespmem:s28+$0xFFFFFF60] =	vst v6;
	v2 =	vld.idx.msk [tilespmem:v11+s6+$0x0], $0xffff  }
0x4d: {  	[tilespmem:s28+$0xFFFFFF70] =	vst v7;
	v3 =	vld.idx.msk [tilespmem:v12+s6+$0x0], $0xffff  }
0x4e: {  	[tilespmem:s28+$0xFFFFFF00] =	vst v15;
	v4 =	vld.idx.msk [tilespmem:v13+s6+$0x0], $0xffff  }
0x4f: {  	s29 =	simm.s32 $0x0;
	s30 =	simm.s32 $0x18A00;
	[tilespmem:s28+$0x0] =	vst v8;
	v5 =	vld.idx.msk [tilespmem:v14+s6+$0x0], $0xffff  }
.LBB2_8:
0x50: {  	v6 =	vld [tilespmem:s30+$0x70];
	s29 =	sadd.s32 $0x10, s29;
	[tilespmem:s28+$0x10] =	vst v0  }
0x51: {  	v0 =	vld [tilespmem:s30+$0xFFFFFF10];
	p1 =	slt.u32 s29, $0xF0;
	[tilespmem:s28+$0x20] =	vst v1  }
0x52: {  	v1 =	vld [tilespmem:s30+$0xFFFFFF20];
	[tilespmem:s28+$0x30] =	vst v2  }
0x53: {  	v2 =	vld [tilespmem:s30+$0xFFFFFF30];
	[tilespmem:s28+$0x40] =	vst v3  }
0x54: {  	v3 =	vld [tilespmem:s30+$0xFFFFFF40];
	[tilespmem:s28+$0x50] =	vst v4  }
0x55: {  	v4 =	vld [tilespmem:s30+$0xFFFFFF50];
	[tilespmem:s28+$0x60] =	vst v5  }
0x56: {  	v5 =	vld [tilespmem:s30+$0xFFFFFF60]  }
0x57: {  	v7 =	vld [tilespmem:s30+$0xFFFFFF70]  }
0x58: {  	v6 =	vld.idx.msk [tilespmem:v6+s6+$0x0], $0xffff  }
0x59: {  	v8 =	vld [tilespmem:s30+$0x0]  }
0x5a: {  	v9 =	vld [tilespmem:s30+$0x10]  }
0x5b: {  	v10 =	vld [tilespmem:s30+$0x20]  }
0x5c: {  	v11 =	vld [tilespmem:s30+$0x30]  }
0x5d: {  	s28 =	sadd.s32 $0x200, s28;
	v12 =	vld [tilespmem:s30+$0x40]  }
0x5e: {  	v13 =	vld [tilespmem:s30+$0x50];
	[tilespmem:s28+$0x70] =	vst v6  }
0x5f: {  	v6 =	vld [tilespmem:s30+$0x60]  }
0x60: {  	v14 =	vld [tilespmem:s30+$0xFFFFFF00]  }
0x61: {  	v0 =	vld.idx.msk [tilespmem:v0+s6+$0x0], $0xffff  }
0x62: {  	v1 =	vld.idx.msk [tilespmem:v1+s6+$0x0], $0xffff  }
0x63: {  	v2 =	vld.idx.msk [tilespmem:v2+s6+$0x0], $0xffff  }
0x64: {  	v3 =	vld.idx.msk [tilespmem:v3+s6+$0x0], $0xffff  }
0x65: {  	v4 =	vld.idx.msk [tilespmem:v4+s6+$0x0], $0xffff  }
0x66: {  	v5 =	vld.idx.msk [tilespmem:v5+s6+$0x0], $0xffff  }
0x67: {  	[tilespmem:s28+$0xFFFFFF10] =	vst v0;
	v7 =	vld.idx.msk [tilespmem:v7+s6+$0x0], $0xffff  }
0x68: {  	v14 =	vld.idx.msk [tilespmem:v14+s6+$0x0], $0xffff;
	[tilespmem:s28+$0xFFFFFF20] =	vst v1  }
0x69: {  	[tilespmem:s28+$0xFFFFFF30] =	vst v2;
	v8 =	vld.idx.msk [tilespmem:v8+s6+$0x0], $0xffff  }
0x6a: {  	[tilespmem:s28+$0xFFFFFF40] =	vst v3;
	v0 =	vld.idx.msk [tilespmem:v9+s6+$0x0], $0xffff  }
.Ltmp2:
0x6b: {  	[tilespmem:s28+$0xFFFFFF50] =	vst v4;
	v1 =	vld.idx.msk [tilespmem:v10+s6+$0x0], $0xffff;
	(pc) =	sbr.rel @p1 .LBB2_8-.Ltmp2, $4  }
0x6c: {  	[tilespmem:s28+$0xFFFFFF60] =	vst v5;
	v2 =	vld.idx.msk [tilespmem:v11+s6+$0x0], $0xffff  }
0x6d: {  	[tilespmem:s28+$0xFFFFFF70] =	vst v7;
	v3 =	vld.idx.msk [tilespmem:v12+s6+$0x0], $0xffff  }
0x6e: {  	[tilespmem:s28+$0xFFFFFF00] =	vst v14;
	v4 =	vld.idx.msk [tilespmem:v13+s6+$0x0], $0xffff  }
0x6f: {  	s30 =	sadd.s32 $0x200, s30;
	[tilespmem:s28+$0x0] =	vst v8;
	v5 =	vld.idx.msk [tilespmem:v6+s6+$0x0], $0xffff  }
0x70: {  	[tilespmem:s28+$0x10] =	vst v0  }
0x71: {  	[tilespmem:s28+$0x20] =	vst v1;
	s0 =	sshll.u32 s25, $0x11  }
0x72: {  	[tilespmem:s28+$0x30] =	vst v2;
	s0 =	sor.u32 s7, s0  }
0x73: {  	[tilespmem:s28+$0x40] =	vst v3;
	s25 =	sshrl.u32 s0, $0x3  }
0x74: {  	s30 =	simm.s32 $0x1A700;
	[tilespmem:s28+$0x50] =	vst v4;
	s29 =	sadd.s32 s4, s25  }
0x75: {  	s31 =	simm.s32 $0x1A800;
	[tilespmem:s28+$0x60] =	vst v5;
	s28 =	simm.s32 $0x80;
	s0 =	sadd.s32 $0x0, s29  }
.LBB2_10:
0x76: {  	[hbm4b:s0+s6] =	stream.linear.scatter [tilespmem:s30], [sflag:$0x4], $0x80, $0x38;
	[tilespmem:$0x1C700] =	vst v63  }
0x77: {  	s0 =	smov.u32 s28;
	s30 =	smov.u32 s31;
	p1 =	sne.s32 s28, $0xF80  }
.Ltmp3:
0x78: {  	s28 =	sadd.s32 $0x80, s28;
	(pc) =	sbr.rel @p1 .LBB2_10-.Ltmp3, $2  }
0x79: {  	_ =	sdelay $0x2  }
0x7a: {  	s31 =	sadd.s32 $0x100, s31;
	s0 =	sadd.s32 s0, s29  }
0x7b: {  	[hbm4b:s0+s6] =	stream.linear.scatter [tilespmem:s30], [sflag:$0x4], $0x80, $0x38;
	[tilespmem:$0x1C700] =	vst v63  }
0x7c: {  	s28 =	sadd.s32 s26, s9;
	_ =	swait.ge [sflag:s19], $0x1000  }
0x7d: {  	s29 =	simm.s32 $0x18700;
	s30 =	simm.s32 $0x80;
	[sflag:s19] =	ssyncset.done $0x0  }
0x7e: {  	s31 =	simm.s32 $0x18800;
	s0 =	sadd.s32 $0x0, s28;
	[sflag:s19] =	ssyncadd.s32 $0xFFFFF000  }
.LBB2_12:
0x7f: {  	[tilespmem:s29], [sflag:$0x2] =	stream.linear.gather [hbm4b:s0+s6], $0x80, $0x38;
	[tilespmem:$0x1C700] =	vst v63  }
0x80: {  	s0 =	smov.u32 s30;
	s29 =	smov.u32 s31;
	p1 =	sne.s32 s30, $0xF80  }
.Ltmp4:
0x81: {  	s30 =	sadd.s32 $0x80, s30;
	(pc) =	sbr.rel @p1 .LBB2_12-.Ltmp4, $2  }
0x82: {  	_ =	sdelay $0x2  }
0x83: {  	s31 =	sadd.s32 $0x100, s31;
	s0 =	sadd.s32 s0, s28  }
0x84: {  	[tilespmem:s29], [sflag:$0x2] =	stream.linear.gather [hbm4b:s0+s6], $0x80, $0x38;
	[tilespmem:$0x1C700] =	vst v63  }
0x85: {  	s0 =	simm.s32 @!p0 $0x5  }
0x86: {  	_ =	swait.ge @!p0 [sflag:s0], $0x1000  }
0x87: {  	[sflag:s0] =	ssyncset.done @!p0 $0x0  }
0x88: {  	s31 =	simm.s32 $0x18880;
	[sflag:s0] =	ssyncadd.s32 @!p0 $0xFFFFF000  }
0x89: {  	v0 =	vld [tilespmem:s31+$0x70]  }
0x8a: {  	v1 =	vld [tilespmem:s31+$0xFFFFFF10]  }
0x8b: {  	v2 =	vld [tilespmem:s31+$0xFFFFFF20]  }
0x8c: {  	v3 =	vld [tilespmem:s31+$0xFFFFFF30]  }
0x8d: {  	v4 =	vld [tilespmem:s31+$0xFFFFFF40]  }
0x8e: {  	v5 =	vld [tilespmem:s31+$0xFFFFFF50]  }
0x8f: {  	v6 =	vld [tilespmem:s31+$0xFFFFFF60]  }
0x90: {  	v7 =	vld [tilespmem:s31+$0xFFFFFF70]  }
0x91: {  	v8 =	vld [tilespmem:s31+$0x0]  }
0x92: {  	v9 =	vld [tilespmem:s31+$0x10]  }
0x93: {  	v10 =	vld [tilespmem:s31+$0x20]  }
0x94: {  	v11 =	vld [tilespmem:s31+$0x30]  }
0x95: {  	v12 =	vld [tilespmem:s31+$0x40]  }
0x96: {  	v13 =	vld [tilespmem:s31+$0x50]  }
0x97: {  	v14 =	vld [tilespmem:s31+$0x60]  }
0x98: {  	v15 =	vld [tilespmem:s31+$0xFFFFFF00]  }
0x99: {  	v0 =	vld.idx.msk [tilespmem:v0+s6+$0x0], $0xffff  }
0x9a: {  	v1 =	vld.idx.msk [tilespmem:v1+s6+$0x0], $0xffff  }
0x9b: {  	v2 =	vld.idx.msk [tilespmem:v2+s6+$0x0], $0xffff  }
0x9c: {  	v3 =	vld.idx.msk [tilespmem:v3+s6+$0x0], $0xffff  }
0x9d: {  	v4 =	vld.idx.msk [tilespmem:v4+s6+$0x0], $0xffff  }
0x9e: {  	s28 =	simm.s32 $0x1A880;
	v5 =	vld.idx.msk [tilespmem:v5+s6+$0x0], $0xffff  }
0x9f: {  	v6 =	vld.idx.msk [tilespmem:v6+s6+$0x0], $0xffff;
	[tilespmem:s28+$0x70] =	vst v0  }
0xa0: {  	v7 =	vld.idx.msk [tilespmem:v7+s6+$0x0], $0xffff;
	[tilespmem:s28+$0xFFFFFF10] =	vst v1  }
0xa1: {  	v15 =	vld.idx.msk [tilespmem:v15+s6+$0x0], $0xffff;
	[tilespmem:s28+$0xFFFFFF20] =	vst v2  }
0xa2: {  	v8 =	vld.idx.msk [tilespmem:v8+s6+$0x0], $0xffff;
	[tilespmem:s28+$0xFFFFFF30] =	vst v3  }
0xa3: {  	[tilespmem:s28+$0xFFFFFF40] =	vst v4;
	v0 =	vld.idx.msk [tilespmem:v9+s6+$0x0], $0xffff  }
0xa4: {  	[tilespmem:s28+$0xFFFFFF50] =	vst v5;
	v1 =	vld.idx.msk [tilespmem:v10+s6+$0x0], $0xffff  }
0xa5: {  	[tilespmem:s28+$0xFFFFFF60] =	vst v6;
	v2 =	vld.idx.msk [tilespmem:v11+s6+$0x0], $0xffff  }
0xa6: {  	[tilespmem:s28+$0xFFFFFF70] =	vst v7;
	v3 =	vld.idx.msk [tilespmem:v12+s6+$0x0], $0xffff  }
0xa7: {  	[tilespmem:s28+$0xFFFFFF00] =	vst v15;
	v4 =	vld.idx.msk [tilespmem:v13+s6+$0x0], $0xffff  }
0xa8: {  	s29 =	simm.s32 $0x0;
	s30 =	simm.s32 $0x18A80;
	[tilespmem:s28+$0x0] =	vst v8;
	v5 =	vld.idx.msk [tilespmem:v14+s6+$0x0], $0xffff  }
.LBB2_14:
0xa9: {  	v6 =	vld [tilespmem:s30+$0x70];
	s29 =	sadd.s32 $0x10, s29;
	[tilespmem:s28+$0x10] =	vst v0  }
0xaa: {  	v0 =	vld [tilespmem:s30+$0xFFFFFF10];
	p0 =	slt.u32 s29, $0xF0;
	[tilespmem:s28+$0x20] =	vst v1  }
0xab: {  	v1 =	vld [tilespmem:s30+$0xFFFFFF20];
	[tilespmem:s28+$0x30] =	vst v2  }
0xac: {  	v2 =	vld [tilespmem:s30+$0xFFFFFF30];
	[tilespmem:s28+$0x40] =	vst v3  }
0xad: {  	v3 =	vld [tilespmem:s30+$0xFFFFFF40];
	[tilespmem:s28+$0x50] =	vst v4  }
0xae: {  	v4 =	vld [tilespmem:s30+$0xFFFFFF50];
	[tilespmem:s28+$0x60] =	vst v5  }
0xaf: {  	v5 =	vld [tilespmem:s30+$0xFFFFFF60]  }
0xb0: {  	v7 =	vld [tilespmem:s30+$0xFFFFFF70]  }
0xb1: {  	v6 =	vld.idx.msk [tilespmem:v6+s6+$0x0], $0xffff  }
0xb2: {  	v8 =	vld [tilespmem:s30+$0x0]  }
0xb3: {  	v9 =	vld [tilespmem:s30+$0x10]  }
0xb4: {  	v10 =	vld [tilespmem:s30+$0x20]  }
0xb5: {  	v11 =	vld [tilespmem:s30+$0x30]  }
0xb6: {  	s28 =	sadd.s32 $0x200, s28;
	v12 =	vld [tilespmem:s30+$0x40]  }
0xb7: {  	v13 =	vld [tilespmem:s30+$0x50];
	[tilespmem:s28+$0x70] =	vst v6  }
0xb8: {  	v6 =	vld [tilespmem:s30+$0x60]  }
0xb9: {  	v14 =	vld [tilespmem:s30+$0xFFFFFF00]  }
0xba: {  	v0 =	vld.idx.msk [tilespmem:v0+s6+$0x0], $0xffff  }
0xbb: {  	v1 =	vld.idx.msk [tilespmem:v1+s6+$0x0], $0xffff  }
0xbc: {  	v2 =	vld.idx.msk [tilespmem:v2+s6+$0x0], $0xffff  }
0xbd: {  	v3 =	vld.idx.msk [tilespmem:v3+s6+$0x0], $0xffff  }
0xbe: {  	v4 =	vld.idx.msk [tilespmem:v4+s6+$0x0], $0xffff  }
0xbf: {  	v5 =	vld.idx.msk [tilespmem:v5+s6+$0x0], $0xffff  }
0xc0: {  	[tilespmem:s28+$0xFFFFFF10] =	vst v0;
	v7 =	vld.idx.msk [tilespmem:v7+s6+$0x0], $0xffff  }
0xc1: {  	v14 =	vld.idx.msk [tilespmem:v14+s6+$0x0], $0xffff;
	[tilespmem:s28+$0xFFFFFF20] =	vst v1  }
0xc2: {  	[tilespmem:s28+$0xFFFFFF30] =	vst v2;
	v8 =	vld.idx.msk [tilespmem:v8+s6+$0x0], $0xffff  }
0xc3: {  	[tilespmem:s28+$0xFFFFFF40] =	vst v3;
	v0 =	vld.idx.msk [tilespmem:v9+s6+$0x0], $0xffff  }
.Ltmp5:
0xc4: {  	[tilespmem:s28+$0xFFFFFF50] =	vst v4;
	v1 =	vld.idx.msk [tilespmem:v10+s6+$0x0], $0xffff;
	(pc) =	sbr.rel @p0 .LBB2_14-.Ltmp5, $4  }
0xc5: {  	[tilespmem:s28+$0xFFFFFF60] =	vst v5;
	v2 =	vld.idx.msk [tilespmem:v11+s6+$0x0], $0xffff  }
0xc6: {  	[tilespmem:s28+$0xFFFFFF70] =	vst v7;
	v3 =	vld.idx.msk [tilespmem:v12+s6+$0x0], $0xffff  }
0xc7: {  	[tilespmem:s28+$0xFFFFFF00] =	vst v14;
	v4 =	vld.idx.msk [tilespmem:v13+s6+$0x0], $0xffff  }
0xc8: {  	s30 =	sadd.s32 $0x200, s30;
	[tilespmem:s28+$0x0] =	vst v8;
	v5 =	vld.idx.msk [tilespmem:v6+s6+$0x0], $0xffff  }
0xc9: {  	[tilespmem:s28+$0x10] =	vst v0  }
0xca: {  	[tilespmem:s28+$0x20] =	vst v1  }
0xcb: {  	[tilespmem:s28+$0x30] =	vst v2  }
0xcc: {  	[tilespmem:s28+$0x40] =	vst v3  }
0xcd: {  	s29 =	sadd.s32 s25, s10;
	s30 =	simm.s32 $0x1A780;
	[tilespmem:s28+$0x50] =	vst v4  }
0xce: {  	s31 =	simm.s32 $0x1A880;
	s0 =	sadd.s32 $0x0, s29;
	[tilespmem:s28+$0x60] =	vst v5;
	s28 =	simm.s32 $0x80  }
.LBB2_16:
0xcf: {  	[hbm4b:s0+s6] =	stream.linear.scatter [tilespmem:s30], [sflag:$0x5], $0x80, $0x38;
	[tilespmem:$0x1C700] =	vst v63  }
0xd0: {  	s0 =	smov.u32 s28;
	s30 =	smov.u32 s31;
	p0 =	sne.s32 s28, $0xF80  }
.Ltmp6:
0xd1: {  	s28 =	sadd.s32 $0x80, s28;
	(pc) =	sbr.rel @p0 .LBB2_16-.Ltmp6, $2  }
0xd2: {  	_ =	sdelay $0x2  }
0xd3: {  	s31 =	sadd.s32 $0x100, s31;
	s0 =	sadd.s32 s0, s29  }
0xd4: {  	[hbm4b:s0+s6] =	stream.linear.scatter [tilespmem:s30], [sflag:$0x5], $0x80, $0x38;
	[tilespmem:$0x1C700] =	vst v63  }
0xd5: {  	s26 =	sadd.s32 s26, s11;
	_ =	swait.ge [sflag:s18], $0x1000  }
0xd6: {  	s28 =	simm.s32 $0x18780;
	s29 =	simm.s32 $0x80;
	[sflag:s18] =	ssyncset.done $0x0  }
0xd7: {  	s30 =	simm.s32 $0x18880;
	s0 =	sadd.s32 $0x0, s26;
	[sflag:s18] =	ssyncadd.s32 $0xFFFFF000  }
.LBB2_18:
0xd8: {  	[tilespmem:s28], [sflag:$0x3] =	stream.linear.gather [hbm4b:s0+s6], $0x80, $0x38;
	[tilespmem:$0x1C700] =	vst v63  }
0xd9: {  	s0 =	smov.u32 s29;
	s28 =	smov.u32 s30;
	p0 =	sne.s32 s29, $0xF80  }
.Ltmp7:
0xda: {  	s29 =	sadd.s32 $0x80, s29;
	(pc) =	sbr.rel @p0 .LBB2_18-.Ltmp7, $2  }
0xdb: {  	_ =	sdelay $0x2  }
0xdc: {  	s30 =	sadd.s32 $0x100, s30;
	s0 =	sadd.s32 s0, s26  }
0xdd: {  	[tilespmem:s28], [sflag:$0x3] =	stream.linear.gather [hbm4b:s0+s6], $0x80, $0x38;
	[tilespmem:$0x1C700] =	vst v63  }
0xde: {  	_ =	swait.ge [sflag:s20], $0x1000  }
0xdf: {  	[sflag:s20] =	ssyncset.done $0x0  }
0xe0: {  	s31 =	simm.s32 $0x18800;
	[sflag:s20] =	ssyncadd.s32 $0xFFFFF000  }
0xe1: {  	v0 =	vld [tilespmem:s31+$0x70]  }
0xe2: {  	v1 =	vld [tilespmem:s31+$0xFFFFFF10]  }
0xe3: {  	v2 =	vld [tilespmem:s31+$0xFFFFFF20]  }
0xe4: {  	v3 =	vld [tilespmem:s31+$0xFFFFFF30]  }
0xe5: {  	v4 =	vld [tilespmem:s31+$0xFFFFFF40]  }
0xe6: {  	v5 =	vld [tilespmem:s31+$0xFFFFFF50]  }
0xe7: {  	v6 =	vld [tilespmem:s31+$0xFFFFFF60]  }
0xe8: {  	v7 =	vld [tilespmem:s31+$0xFFFFFF70]  }
0xe9: {  	v8 =	vld [tilespmem:s31+$0x0]  }
0xea: {  	v9 =	vld [tilespmem:s31+$0x10]  }
0xeb: {  	v10 =	vld [tilespmem:s31+$0x20]  }
0xec: {  	v11 =	vld [tilespmem:s31+$0x30]  }
0xed: {  	v12 =	vld [tilespmem:s31+$0x40]  }
0xee: {  	v13 =	vld [tilespmem:s31+$0x50]  }
0xef: {  	v14 =	vld [tilespmem:s31+$0x60]  }
0xf0: {  	v15 =	vld [tilespmem:s31+$0xFFFFFF00]  }
0xf1: {  	v0 =	vld.idx.msk [tilespmem:v0+s6+$0x0], $0xffff  }
0xf2: {  	v1 =	vld.idx.msk [tilespmem:v1+s6+$0x0], $0xffff  }
0xf3: {  	v2 =	vld.idx.msk [tilespmem:v2+s6+$0x0], $0xffff  }
0xf4: {  	v3 =	vld.idx.msk [tilespmem:v3+s6+$0x0], $0xffff  }
0xf5: {  	v4 =	vld.idx.msk [tilespmem:v4+s6+$0x0], $0xffff  }
0xf6: {  	s26 =	simm.s32 $0x1A800;
	v5 =	vld.idx.msk [tilespmem:v5+s6+$0x0], $0xffff  }
0xf7: {  	v6 =	vld.idx.msk [tilespmem:v6+s6+$0x0], $0xffff;
	[tilespmem:s26+$0x70] =	vst v0  }
0xf8: {  	v7 =	vld.idx.msk [tilespmem:v7+s6+$0x0], $0xffff;
	[tilespmem:s26+$0xFFFFFF10] =	vst v1  }
0xf9: {  	v15 =	vld.idx.msk [tilespmem:v15+s6+$0x0], $0xffff;
	[tilespmem:s26+$0xFFFFFF20] =	vst v2  }
0xfa: {  	v8 =	vld.idx.msk [tilespmem:v8+s6+$0x0], $0xffff;
	[tilespmem:s26+$0xFFFFFF30] =	vst v3  }
0xfb: {  	[tilespmem:s26+$0xFFFFFF40] =	vst v4;
	v0 =	vld.idx.msk [tilespmem:v9+s6+$0x0], $0xffff  }
0xfc: {  	[tilespmem:s26+$0xFFFFFF50] =	vst v5;
	v1 =	vld.idx.msk [tilespmem:v10+s6+$0x0], $0xffff  }
0xfd: {  	[tilespmem:s26+$0xFFFFFF60] =	vst v6;
	v2 =	vld.idx.msk [tilespmem:v11+s6+$0x0], $0xffff  }
0xfe: {  	[tilespmem:s26+$0xFFFFFF70] =	vst v7;
	v3 =	vld.idx.msk [tilespmem:v12+s6+$0x0], $0xffff  }
0xff: {  	[tilespmem:s26+$0xFFFFFF00] =	vst v15;
	v4 =	vld.idx.msk [tilespmem:v13+s6+$0x0], $0xffff  }
0x100: {  	s28 =	simm.s32 $0x0;
	s29 =	simm.s32 $0x18A00;
	[tilespmem:s26+$0x0] =	vst v8;
	v5 =	vld.idx.msk [tilespmem:v14+s6+$0x0], $0xffff  }
.LBB2_20:
0x101: {  	v6 =	vld [tilespmem:s29+$0x70];
	s28 =	sadd.s32 $0x10, s28;
	[tilespmem:s26+$0x10] =	vst v0  }
0x102: {  	v0 =	vld [tilespmem:s29+$0xFFFFFF10];
	p0 =	slt.u32 s28, $0xF0;
	[tilespmem:s26+$0x20] =	vst v1  }
0x103: {  	v1 =	vld [tilespmem:s29+$0xFFFFFF20];
	[tilespmem:s26+$0x30] =	vst v2  }
0x104: {  	v2 =	vld [tilespmem:s29+$0xFFFFFF30];
	[tilespmem:s26+$0x40] =	vst v3  }
0x105: {  	v3 =	vld [tilespmem:s29+$0xFFFFFF40];
	[tilespmem:s26+$0x50] =	vst v4  }
0x106: {  	v4 =	vld [tilespmem:s29+$0xFFFFFF50];
	[tilespmem:s26+$0x60] =	vst v5  }
0x107: {  	v5 =	vld [tilespmem:s29+$0xFFFFFF60]  }
0x108: {  	v7 =	vld [tilespmem:s29+$0xFFFFFF70]  }
0x109: {  	v6 =	vld.idx.msk [tilespmem:v6+s6+$0x0], $0xffff  }
0x10a: {  	v8 =	vld [tilespmem:s29+$0x0]  }
0x10b: {  	v9 =	vld [tilespmem:s29+$0x10]  }
0x10c: {  	v10 =	vld [tilespmem:s29+$0x20]  }
0x10d: {  	v11 =	vld [tilespmem:s29+$0x30]  }
0x10e: {  	s26 =	sadd.s32 $0x200, s26;
	v12 =	vld [tilespmem:s29+$0x40]  }
0x10f: {  	v13 =	vld [tilespmem:s29+$0x50];
	[tilespmem:s26+$0x70] =	vst v6  }
0x110: {  	v6 =	vld [tilespmem:s29+$0x60]  }
0x111: {  	v14 =	vld [tilespmem:s29+$0xFFFFFF00]  }
0x112: {  	v0 =	vld.idx.msk [tilespmem:v0+s6+$0x0], $0xffff  }
0x113: {  	v1 =	vld.idx.msk [tilespmem:v1+s6+$0x0], $0xffff  }
0x114: {  	v2 =	vld.idx.msk [tilespmem:v2+s6+$0x0], $0xffff  }
0x115: {  	v3 =	vld.idx.msk [tilespmem:v3+s6+$0x0], $0xffff  }
0x116: {  	v4 =	vld.idx.msk [tilespmem:v4+s6+$0x0], $0xffff  }
0x117: {  	v5 =	vld.idx.msk [tilespmem:v5+s6+$0x0], $0xffff  }
0x118: {  	[tilespmem:s26+$0xFFFFFF10] =	vst v0;
	v7 =	vld.idx.msk [tilespmem:v7+s6+$0x0], $0xffff  }
0x119: {  	v14 =	vld.idx.msk [tilespmem:v14+s6+$0x0], $0xffff;
	[tilespmem:s26+$0xFFFFFF20] =	vst v1  }
0x11a: {  	[tilespmem:s26+$0xFFFFFF30] =	vst v2;
	v8 =	vld.idx.msk [tilespmem:v8+s6+$0x0], $0xffff  }
0x11b: {  	[tilespmem:s26+$0xFFFFFF40] =	vst v3;
	v0 =	vld.idx.msk [tilespmem:v9+s6+$0x0], $0xffff  }
.Ltmp8:
0x11c: {  	[tilespmem:s26+$0xFFFFFF50] =	vst v4;
	v1 =	vld.idx.msk [tilespmem:v10+s6+$0x0], $0xffff;
	(pc) =	sbr.rel @p0 .LBB2_20-.Ltmp8, $4  }
0x11d: {  	[tilespmem:s26+$0xFFFFFF60] =	vst v5;
	v2 =	vld.idx.msk [tilespmem:v11+s6+$0x0], $0xffff  }
0x11e: {  	[tilespmem:s26+$0xFFFFFF70] =	vst v7;
	v3 =	vld.idx.msk [tilespmem:v12+s6+$0x0], $0xffff  }
0x11f: {  	[tilespmem:s26+$0xFFFFFF00] =	vst v14;
	v4 =	vld.idx.msk [tilespmem:v13+s6+$0x0], $0xffff  }
0x120: {  	s29 =	sadd.s32 $0x200, s29;
	[tilespmem:s26+$0x0] =	vst v8;
	v5 =	vld.idx.msk [tilespmem:v6+s6+$0x0], $0xffff  }
0x121: {  	[tilespmem:s26+$0x10] =	vst v0  }
0x122: {  	[tilespmem:s26+$0x20] =	vst v1  }
0x123: {  	[tilespmem:s26+$0x30] =	vst v2  }
0x124: {  	[tilespmem:s26+$0x40] =	vst v3  }
0x125: {  	s28 =	sadd.s32 s25, s12;
	s29 =	simm.s32 $0x1A700;
	[tilespmem:s26+$0x50] =	vst v4  }
0x126: {  	s30 =	simm.s32 $0x1A800;
	s0 =	sadd.s32 $0x0, s28;
	[tilespmem:s26+$0x60] =	vst v5;
	s26 =	simm.s32 $0x80  }
.LBB2_22:
0x127: {  	[hbm4b:s0+s6] =	stream.linear.scatter [tilespmem:s29], [sflag:$0x4], $0x80, $0x38;
	[tilespmem:$0x1C700] =	vst v63  }
0x128: {  	s0 =	smov.u32 s26;
	s29 =	smov.u32 s30;
	p0 =	sne.s32 s26, $0xF80  }
.Ltmp9:
0x129: {  	s26 =	sadd.s32 $0x80, s26;
	(pc) =	sbr.rel @p0 .LBB2_22-.Ltmp9, $2  }
0x12a: {  	_ =	sdelay $0x2  }
0x12b: {  	s30 =	sadd.s32 $0x100, s30;
	s0 =	sadd.s32 s0, s28  }
0x12c: {  	p0 =	seq.s32 s24, $0x19  }
.Ltmp10:
0x12d: {  	_ = 	snop;
	(pc) =	sbr.rel @p0 .LBB2_27-.Ltmp10, $4  }
0x12e: {  	[hbm4b:s0+s6] =	stream.linear.scatter [tilespmem:s29], [sflag:$0x4], $0x80, $0x38;
	[tilespmem:$0x1C700] =	vst v63  }
0x12f: {  	_ =	swait.ge [sflag:s19], $0x1000  }
0x130: {  	[sflag:s19] =	ssyncset.done $0x0  }
0x131: {  	s24 =	sadd.s32 $0x1, s24;
	[sflag:s19] =	ssyncadd.s32 $0xFFFFF000  }
0x132: {  	s0 =	sshll.u32 s24, $0x4  }
0x133: {  	s26 =	sshll.u32 s24, $0xB;
	s0 =	sand.u32 $0x70, s0  }
0x134: {  	s26 =	sand.u32 $0x1C000, s26;
	s0 =	sadd.s32 s2, s0  }
0x135: {  	s28 =	simm.s32 $0x18700;
	s26 =	sadd.s32 s26, s0  }
0x136: {  	s29 =	simm.s32 $0x80;
	s30 =	simm.s32 $0x18800;
	s0 =	sadd.s32 $0x0, s26  }
.LBB2_25:
0x137: {  	[tilespmem:s28], [sflag:$0x2] =	stream.linear.gather [hbm4b:s0+s6], $0x80, $0x38;
	[tilespmem:$0x1C700] =	vst v63  }
0x138: {  	s0 =	smov.u32 s29;
	s28 =	smov.u32 s30;
	p0 =	sne.s32 s29, $0xF80  }
.Ltmp11:
0x139: {  	s29 =	sadd.s32 $0x80, s29;
	(pc) =	sbr.rel @p0 .LBB2_25-.Ltmp11, $2  }
0x13a: {  	_ =	sdelay $0x2  }
0x13b: {  	s30 =	sadd.s32 $0x100, s30;
	s0 =	sadd.s32 s0, s26  }
0x13c: {  	[tilespmem:s28], [sflag:$0x2] =	stream.linear.gather [hbm4b:s0+s6], $0x80, $0x38;
	[tilespmem:$0x1C700] =	vst v63  }
.LBB2_27:
0x13d: {  	_ =	swait.ge [sflag:s21], $0x1000  }
0x13e: {  	[sflag:s21] =	ssyncset.done $0x0  }
0x13f: {  	s0 =	simm.s32 $0x18880;
	[sflag:s21] =	ssyncadd.s32 $0xFFFFF000  }
0x140: {  	v0 =	vld [tilespmem:s0+$0x70]  }
0x141: {  	v1 =	vld [tilespmem:s0+$0xFFFFFF10]  }
0x142: {  	v2 =	vld [tilespmem:s0+$0xFFFFFF20]  }
0x143: {  	v3 =	vld [tilespmem:s0+$0xFFFFFF30]  }
0x144: {  	v4 =	vld [tilespmem:s0+$0xFFFFFF40]  }
0x145: {  	v5 =	vld [tilespmem:s0+$0xFFFFFF50]  }
0x146: {  	v6 =	vld [tilespmem:s0+$0xFFFFFF60]  }
0x147: {  	v7 =	vld [tilespmem:s0+$0xFFFFFF70]  }
0x148: {  	v8 =	vld [tilespmem:s0+$0x0]  }
0x149: {  	v9 =	vld [tilespmem:s0+$0x10]  }
0x14a: {  	v10 =	vld [tilespmem:s0+$0x20]  }
0x14b: {  	v11 =	vld [tilespmem:s0+$0x30]  }
0x14c: {  	v12 =	vld [tilespmem:s0+$0x40]  }
0x14d: {  	v13 =	vld [tilespmem:s0+$0x50]  }
0x14e: {  	v14 =	vld [tilespmem:s0+$0x60]  }
0x14f: {  	v15 =	vld [tilespmem:s0+$0xFFFFFF00]  }
0x150: {  	v0 =	vld.idx.msk [tilespmem:v0+s6+$0x0], $0xffff  }
0x151: {  	v1 =	vld.idx.msk [tilespmem:v1+s6+$0x0], $0xffff  }
0x152: {  	v2 =	vld.idx.msk [tilespmem:v2+s6+$0x0], $0xffff  }
0x153: {  	v3 =	vld.idx.msk [tilespmem:v3+s6+$0x0], $0xffff  }
0x154: {  	v4 =	vld.idx.msk [tilespmem:v4+s6+$0x0], $0xffff  }
0x155: {  	s26 =	simm.s32 $0x1A880;
	v5 =	vld.idx.msk [tilespmem:v5+s6+$0x0], $0xffff  }
0x156: {  	v6 =	vld.idx.msk [tilespmem:v6+s6+$0x0], $0xffff;
	[tilespmem:s26+$0x70] =	vst v0  }
0x157: {  	v7 =	vld.idx.msk [tilespmem:v7+s6+$0x0], $0xffff;
	[tilespmem:s26+$0xFFFFFF10] =	vst v1  }
0x158: {  	v15 =	vld.idx.msk [tilespmem:v15+s6+$0x0], $0xffff;
	[tilespmem:s26+$0xFFFFFF20] =	vst v2  }
0x159: {  	v8 =	vld.idx.msk [tilespmem:v8+s6+$0x0], $0xffff;
	[tilespmem:s26+$0xFFFFFF30] =	vst v3  }
0x15a: {  	[tilespmem:s26+$0xFFFFFF40] =	vst v4;
	v0 =	vld.idx.msk [tilespmem:v9+s6+$0x0], $0xffff  }
0x15b: {  	[tilespmem:s26+$0xFFFFFF50] =	vst v5;
	v1 =	vld.idx.msk [tilespmem:v10+s6+$0x0], $0xffff  }
0x15c: {  	[tilespmem:s26+$0xFFFFFF60] =	vst v6;
	v2 =	vld.idx.msk [tilespmem:v11+s6+$0x0], $0xffff  }
0x15d: {  	[tilespmem:s26+$0xFFFFFF70] =	vst v7;
	v3 =	vld.idx.msk [tilespmem:v12+s6+$0x0], $0xffff  }
0x15e: {  	[tilespmem:s26+$0xFFFFFF00] =	vst v15;
	v4 =	vld.idx.msk [tilespmem:v13+s6+$0x0], $0xffff  }
0x15f: {  	s28 =	simm.s32 $0x0;
	s29 =	simm.s32 $0x18A80;
	[tilespmem:s26+$0x0] =	vst v8;
	v5 =	vld.idx.msk [tilespmem:v14+s6+$0x0], $0xffff  }
.LBB2_28:
0x160: {  	v6 =	vld [tilespmem:s29+$0x70];
	s28 =	sadd.s32 $0x10, s28;
	[tilespmem:s26+$0x10] =	vst v0  }
0x161: {  	v0 =	vld [tilespmem:s29+$0xFFFFFF10];
	p0 =	slt.u32 s28, $0xF0;
	[tilespmem:s26+$0x20] =	vst v1  }
0x162: {  	v1 =	vld [tilespmem:s29+$0xFFFFFF20];
	[tilespmem:s26+$0x30] =	vst v2  }
0x163: {  	v2 =	vld [tilespmem:s29+$0xFFFFFF30];
	[tilespmem:s26+$0x40] =	vst v3  }
0x164: {  	v3 =	vld [tilespmem:s29+$0xFFFFFF40];
	[tilespmem:s26+$0x50] =	vst v4  }
0x165: {  	v4 =	vld [tilespmem:s29+$0xFFFFFF50];
	[tilespmem:s26+$0x60] =	vst v5  }
0x166: {  	v5 =	vld [tilespmem:s29+$0xFFFFFF60]  }
0x167: {  	v7 =	vld [tilespmem:s29+$0xFFFFFF70]  }
0x168: {  	v6 =	vld.idx.msk [tilespmem:v6+s6+$0x0], $0xffff  }
0x169: {  	v8 =	vld [tilespmem:s29+$0x0]  }
0x16a: {  	v9 =	vld [tilespmem:s29+$0x10]  }
0x16b: {  	v10 =	vld [tilespmem:s29+$0x20]  }
0x16c: {  	v11 =	vld [tilespmem:s29+$0x30]  }
0x16d: {  	s26 =	sadd.s32 $0x200, s26;
	v12 =	vld [tilespmem:s29+$0x40]  }
0x16e: {  	v13 =	vld [tilespmem:s29+$0x50];
	[tilespmem:s26+$0x70] =	vst v6  }
0x16f: {  	v6 =	vld [tilespmem:s29+$0x60]  }
0x170: {  	v14 =	vld [tilespmem:s29+$0xFFFFFF00]  }
0x171: {  	v0 =	vld.idx.msk [tilespmem:v0+s6+$0x0], $0xffff  }
0x172: {  	v1 =	vld.idx.msk [tilespmem:v1+s6+$0x0], $0xffff  }
0x173: {  	v2 =	vld.idx.msk [tilespmem:v2+s6+$0x0], $0xffff  }
0x174: {  	v3 =	vld.idx.msk [tilespmem:v3+s6+$0x0], $0xffff  }
0x175: {  	v4 =	vld.idx.msk [tilespmem:v4+s6+$0x0], $0xffff  }
0x176: {  	v5 =	vld.idx.msk [tilespmem:v5+s6+$0x0], $0xffff  }
0x177: {  	[tilespmem:s26+$0xFFFFFF10] =	vst v0;
	v7 =	vld.idx.msk [tilespmem:v7+s6+$0x0], $0xffff  }
0x178: {  	v14 =	vld.idx.msk [tilespmem:v14+s6+$0x0], $0xffff;
	[tilespmem:s26+$0xFFFFFF20] =	vst v1  }
0x179: {  	[tilespmem:s26+$0xFFFFFF30] =	vst v2;
	v8 =	vld.idx.msk [tilespmem:v8+s6+$0x0], $0xffff  }
0x17a: {  	[tilespmem:s26+$0xFFFFFF40] =	vst v3;
	v0 =	vld.idx.msk [tilespmem:v9+s6+$0x0], $0xffff  }
.Ltmp12:
0x17b: {  	[tilespmem:s26+$0xFFFFFF50] =	vst v4;
	v1 =	vld.idx.msk [tilespmem:v10+s6+$0x0], $0xffff;
	(pc) =	sbr.rel @p0 .LBB2_28-.Ltmp12, $4  }
0x17c: {  	[tilespmem:s26+$0xFFFFFF60] =	vst v5;
	v2 =	vld.idx.msk [tilespmem:v11+s6+$0x0], $0xffff  }
0x17d: {  	[tilespmem:s26+$0xFFFFFF70] =	vst v7;
	v3 =	vld.idx.msk [tilespmem:v12+s6+$0x0], $0xffff  }
0x17e: {  	[tilespmem:s26+$0xFFFFFF00] =	vst v14;
	v4 =	vld.idx.msk [tilespmem:v13+s6+$0x0], $0xffff  }
0x17f: {  	s29 =	sadd.s32 $0x200, s29;
	[tilespmem:s26+$0x0] =	vst v8;
	v5 =	vld.idx.msk [tilespmem:v6+s6+$0x0], $0xffff  }
0x180: {  	[tilespmem:s26+$0x10] =	vst v0  }
0x181: {  	[tilespmem:s26+$0x20] =	vst v1  }
0x182: {  	[tilespmem:s26+$0x30] =	vst v2  }
0x183: {  	[tilespmem:s26+$0x40] =	vst v3  }
0x184: {  	s25 =	sadd.s32 s25, s13;
	s28 =	simm.s32 $0x1A780;
	[tilespmem:s26+$0x50] =	vst v4  }
0x185: {  	s29 =	simm.s32 $0x1A880;
	s0 =	sadd.s32 $0x0, s25;
	[tilespmem:s26+$0x60] =	vst v5;
	s26 =	simm.s32 $0x80  }
.LBB2_30:
0x186: {  	[hbm4b:s0+s6] =	stream.linear.scatter [tilespmem:s28], [sflag:$0x5], $0x80, $0x38;
	[tilespmem:$0x1C700] =	vst v63  }
0x187: {  	s0 =	smov.u32 s26;
	s28 =	smov.u32 s29;
	p0 =	seq.s32 s26, $0xF80  }
.Ltmp13:
0x188: {  	s26 =	sadd.s32 $0x80, s26;
	(pc) =	sbr.rel @!p0 .LBB2_30-.Ltmp13, $2  }
0x189: {  	_ =	sdelay $0x2  }
0x18a: {  	s29 =	sadd.s32 $0x100, s29;
	s0 =	sadd.s32 s0, s25  }
0x18b: {  	[hbm4b:s0+s6] =	stream.linear.scatter [tilespmem:s28], [sflag:$0x5], $0x80, $0x38;
	[tilespmem:$0x1C700] =	vst v63  }
0x18c: {  	p0 =	seq.s32 s24, $0x1A  }
.Ltmp14:
0x18d: {  	_ = 	snop;
	(pc) =	sbr.rel @!p0 .LBB2_5-.Ltmp14, $1  }
0x18e: {  	_ =	sdelay $0x3  }
0x18f: {  	s22 =	sadd.s32 $0x1, s22  }
0x190: {  	_ =	swait.ge [sflag:s20], $0x1000;
	p0 =	sne.s32 s22, s14  }
.Ltmp15:
0x191: {  	[sflag:s20] =	ssyncset.done $0x0;
	(pc) =	sbr.rel @p0 .LBB2_1-.Ltmp15, $4  }
0x192: {  	[sflag:s20] =	ssyncadd.s32 $0xFFFFF000  }
0x193: {  	_ =	swait.ge [sflag:s21], $0x1000  }
0x194: {  	[sflag:s21] =	ssyncset.done $0x0  }
0x195: {  	[sflag:s21] =	ssyncadd.s32 $0xFFFFF000  }
0x196: {  	_ =	sfence.sel $0x180000  }
0x197: {  	[bflag:$0x0] =	sbarrier.arrive $0xFFFF  }
0x198: {  	_ =	strace $0x90000047  }
0x199: {  	[bflag:$0x2] =	sbarrier.arrive $0xFFFF  }
0x19a: {  	p0 =	sne.s32 s1, $0x0;
	s0 =	rddreg [dreg:$0x3]  }
0x19b: {  	s0 =	sadd.s32 @!p0 $0x100000, s0  }
0x19c: {  	[sflag:s0] =	ssyncadd.tile.s32 @!p0 $0x1;
	_ =	shalt  }
.Lfunc_end2:
_tile_overlayer_lowered:
.L_overlay_start_2:
0x19d: {  	(tag) =	ssettag $0x2  }
0x19e: {  	s0 =	rddreg [dreg:$0x0];
	s2 =	stileid.u32  }
0x19f: {  	s1 =	rddreg [dreg:$0x1];
	p0 =	sne.s32 s2, $0x0  }
0x1a0: {  	s3 =	rddreg [dreg:$0x2];
	[bflag:$0x3] =	sbarrier.arrive $0xFFFF;
	s2 =	simm.s32 @!p0 $0x1C06  }
0x1a1: {  	[timem:s3], [sflag:s2] =	dma.local @!p0 [hbm:s0], s1  }
0x1a2: {  	s0 =	simm.s32 @!p0 $0x6  }
0x1a3: {  	_ =	swait.ge @!p0 [sflag:s0], s1  }
0x1a4: {  	s1 =	ssub.s32 @!p0 $0x0, s1;
	[sflag:s0] =	ssyncset.done @!p0 $0x0  }
0x1a5: {  	[sflag:s0] =	ssyncadd.s32 @!p0 s1  }
0x1a6: {  	[bflag:$0x3] =	sbarrier.arrive $0xFFFF  }
0x1a7: {  	_ =	shalt  }

</sc_bundles>
